<compile_context>
chip_gen: v7x
topology: tpu7x:2x2x1
jax: 0.10.2.dev20260603
libtpu: 0.0.44.dev20260713+nightly
codegen_flags: <defaults>
</compile_context>

<pallas_src>
import functools

import jax
import jax.numpy as jnp
from jax import lax
from jax.experimental import pallas as pl
from jax.experimental.pallas import tpu as pltpu
from jax.experimental.pallas import tpu_sc as plsc

DIM = 64
LANES = 16
NW = 32
BLK = 98304
IDXW = 128


def _matvec_body(pu_ref, ut_blk, vt_blk, out_blk):
    j = pu_ref[0] % 128
    col = lax.broadcasted_iota(jnp.int32, (DIM, 128), 1)
    ucol = jnp.sum(jnp.where(col == j, ut_blk[...], 0.0), axis=1,
                   keepdims=True)
    out_blk[...] = lax.dot_general(
        ucol, vt_blk[...], (((0,), (0,)), ((), ())),
        preferred_element_type=jnp.float32)[0, :]


def _tc_scores(pos_u, ut, vt, vocab):
    grid = (pl.cdiv(vocab, BLK),)
    return pl.pallas_call(
        _matvec_body,
        grid_spec=pltpu.PrefetchScalarGridSpec(
            num_scalar_prefetch=1,
            grid=grid,
            in_specs=[
                pl.BlockSpec((DIM, 128), lambda i, pu: (0, pu[0] // 128)),
                pl.BlockSpec((DIM, BLK), lambda i, pu: (0, i)),
            ],
            out_specs=pl.BlockSpec((BLK,), lambda i, pu: (i,)),
        ),
        out_shape=jax.ShapeDtypeStruct((vocab,), jnp.float32),
        compiler_params=pltpu.CompilerParams(vmem_limit_bytes=63 * 1024 * 1024),
    )(pos_u, ut, vt)


def _sc_body(scores_hbm, posv_hbm, negv_hbm, out_hbm,
             pidx_v, nidx_v, pvals_v, nvals_v, part_v, sem,
             *, pos_per_w, neg_per_w):
    wid = lax.axis_index("s") * 2 + lax.axis_index("c")

    pltpu.sync_copy(posv_hbm.at[pl.ds(wid * pos_per_w, pos_per_w)], pidx_v)
    pltpu.sync_copy(negv_hbm.at[pl.ds(wid * neg_per_w, neg_per_w)], nidx_v)

    descs = []
    for j in range(pos_per_w // IDXW):
        descs.append(pltpu.async_copy(
            scores_hbm.at[pidx_v.at[pl.ds(j * IDXW, IDXW)]],
            pvals_v.at[pl.ds(j * IDXW, IDXW)], sem))
    for j in range(neg_per_w // IDXW):
        descs.append(pltpu.async_copy(
            scores_hbm.at[nidx_v.at[pl.ds(j * IDXW, IDXW)]],
            nvals_v.at[pl.ds(j * IDXW, IDXW)], sem))
    for d in descs:
        d.wait()

    zero = jnp.zeros((LANES,), jnp.float32)

    def pos_iter(i, acc):
        return acc + pvals_v[pl.ds(i * LANES, LANES)]

    pos_acc = lax.fori_loop(0, pos_per_w // LANES, pos_iter, zero)

    def neg_iter(i, acc):
        return acc + jnp.exp(nvals_v[pl.ds(i * LANES, LANES)])

    neg_acc = lax.fori_loop(0, neg_per_w // LANES, neg_iter, zero)

    part_v[0, :] = pos_acc
    part_v[1, :] = neg_acc
    pltpu.sync_copy(part_v, out_hbm.at[wid])


@functools.partial(jax.jit, static_argnames=("pos_per_w", "neg_per_w"))
def _sc_reduce(scores, pos_v, neg_v, *, pos_per_w, neg_per_w):
    body = functools.partial(_sc_body, pos_per_w=pos_per_w,
                             neg_per_w=neg_per_w)
    return pl.kernel(
        body,
        out_type=jax.ShapeDtypeStruct((NW, 2, LANES), jnp.float32),
        mesh=plsc.VectorSubcoreMesh(core_axis_name="c", subcore_axis_name="s",
                                    num_cores=2, num_subcores=16),
        compiler_params=pltpu.CompilerParams(needs_layout_passes=False,
                                             use_tc_tiling_on_sc=False),
        scratch_types=[
            pltpu.VMEM((pos_per_w,), jnp.int32),
            pltpu.VMEM((neg_per_w,), jnp.int32),
            pltpu.VMEM((pos_per_w,), jnp.float32),
            pltpu.VMEM((neg_per_w,), jnp.float32),
            pltpu.VMEM((2, LANES), jnp.float32),
            pltpu.SemaphoreType.DMA,
        ],
    )(scores, pos_v, neg_v)


def kernel(pos_u, pos_v, neg_v, batch_size, u_weight, v_weight):
    vocab = v_weight.shape[0]
    ut = u_weight.T
    vt = v_weight.T
    scores = _tc_scores(pos_u.astype(jnp.int32), ut, vt, vocab)
    parts = _sc_reduce(scores, pos_v, neg_v,
                       pos_per_w=pos_v.shape[0] // NW,
                       neg_per_w=neg_v.shape[0] // NW)
    pos_sum = jnp.sum(parts[:, 0, :])
    s = jnp.sum(parts[:, 1, :])
    return -pos_sum + jnp.log(1.0 + s)

# --- scband reference (transcript-rebuilt; emitter-appended) ---
"""Pipeline reference for scband-skip-gram-33672543601126 (READ-ONLY COPY).

The authoritative reference and input builder live on the scoring server;
editing this copy changes nothing except your own understanding.
"""

import jax, jax.numpy as jnp
import numpy as np

VOCAB = 1000000
DIM = 64

def setup_inputs(seed: int = 0) -> dict:
    key = jax.random.key(seed)
    k1, k2, k3, k4, k5 = jax.random.split(key, 5)
    pos_u = jax.random.randint(k1, (1,), 0, VOCAB, dtype=jnp.int64) if jax.config.jax_enable_x64 else jax.random.randint(k1, (1,), 0, VOCAB).astype(jnp.int32)
    pos_v = jax.random.randint(k2, (16384,), 0, VOCAB).astype(jnp.int32)
    neg_v = jax.random.randint(k3, (81920,), 0, VOCAB).astype(jnp.int32)
    initrange = 0.5 / DIM
    u_weight = jax.random.uniform(k4, (VOCAB, DIM), dtype=jnp.float32, minval=-initrange, maxval=initrange)
    # original inits v to zeros (uniform_(-0, 0)); use small uniform so the
    # computation is numerically non-degenerate while keeping the same math
    v_weight = jax.random.uniform(k5, (VOCAB, DIM), dtype=jnp.float32, minval=-initrange, maxval=initrange)
    pos_u = pos_u.astype(jnp.int32)
    return {"pos_u": pos_u, "pos_v": pos_v, "neg_v": neg_v, "batch_size": 16384, "u_weight": u_weight, "v_weight": v_weight}

def reference(pos_u, pos_v, neg_v, batch_size, u_weight, v_weight):
    # embedding lookups (gathers)
    embed_u = jnp.take(u_weight, pos_u, axis=0)          # [1, D]
    embed_v = jnp.take(v_weight, pos_v, axis=0)          # [B, D]
    neg_embed_v = jnp.take(v_weight, neg_v, axis=0)      # [N, D]
    # expand_as -> broadcast
    embed_score = jnp.broadcast_to(embed_u, embed_v.shape)      # [B, D]
    embed_neg = jnp.broadcast_to(embed_u, neg_embed_v.shape)    # [N, D]
    score = jnp.sum(embed_score * embed_v, axis=1)               # [B]
    neg_score = jnp.sum(embed_neg * neg_embed_v, axis=1)         # [N]
    neg_score = jnp.exp(neg_score)
    neg_score = jnp.sum(neg_score)
    neg_score = -jnp.log(1.0 + neg_score)
    loss = jnp.sum(score) + neg_score
    return -1.0 * loss

if __name__ == "__main__":
    import jax
    _d = setup_inputs()
    print(jax.jit(kernel)(*tuple(_d.values())))

</pallas_src>

<mosaic_0001>
#map = affine_map<(d0, d1) -> (0)>
#map1 = affine_map<(d0, d1) -> (0, 0, 0)>
module attributes {stable_mosaic.version = 14 : i64} {
  func.func @_sc_body(%arg0: i32, %arg1: i32, %arg2: memref<1000000xf32, #tpu.memory_space<hbm>>, %arg3: memref<16384xi32, #tpu.memory_space<hbm>>, %arg4: memref<81920xi32, #tpu.memory_space<hbm>>, %arg5: memref<32x2x16xf32, #tpu.memory_space<hbm>>, %arg6: memref<512xi32, #tpu.memory_space<vmem>>, %arg7: memref<2560xi32, #tpu.memory_space<vmem>>, %arg8: memref<512xf32, #tpu.memory_space<vmem>>, %arg9: memref<2560xf32, #tpu.memory_space<vmem>>, %arg10: memref<2x16xf32, #tpu.memory_space<vmem>>, %arg11: memref<!tpu.dma_semaphore, #tpu.memory_space<semaphore_mem>>) attributes {dimension_semantics = [#tpu.dimension_semantics<core_parallel>, #tpu.dimension_semantics<subcore_parallel>], iteration_bounds = array<i64: 2, 16>, scalar_prefetch = 0 : i64, scratch_operands = 6 : i64, tpu.core_type = #tpu.core_type<sc_vector_subcore>, window_params = [{transform_indices = #map}, {transform_indices = #map}, {transform_indices = #map}, {transform_indices = #map1}]} {
    %mul3A = arith.constant 2 : i32
    %mul3A_0 = arith.muli %arg1, %mul3A : i32
    %add3A = arith.addi %mul3A_0, %arg0 : i32
    %mul3A_1 = arith.constant 512 : i32
    %mul3A_2 = arith.muli %add3A, %mul3A_1 : i32
    "tpu.region"() ({
      %run_scoped3A = tpu.sem_alloc : memref<!tpu.dma_semaphore, #tpu.memory_space<semaphore_mem>>
      %dma_start3A_310 = tpu.memref_slice %arg3[%mul3A_2] : memref<16384xi32, #tpu.memory_space<hbm>> -> memref<512xi32, #tpu.memory_space<hbm>>
      %dma_start3A_311 = tpu.memref_slice %arg3[%mul3A_2] : memref<16384xi32, #tpu.memory_space<hbm>> -> memref<512xi32, #tpu.memory_space<hbm>>
      tpu.enqueue_dma source(%dma_start3A_311 : memref<512xi32, #tpu.memory_space<hbm>>) target(%arg6 : memref<512xi32, #tpu.memory_space<vmem>>) target_semaphore(%run_scoped3A : memref<!tpu.dma_semaphore, #tpu.memory_space<semaphore_mem>>)
      %dma_wait3A_312 = tpu.memref_slice %arg3[%mul3A_2] : memref<16384xi32, #tpu.memory_space<hbm>> -> memref<512xi32, #tpu.memory_space<hbm>>
      %dma_wait3A_313 = tpu.memref_slice %arg3[%mul3A_2] : memref<16384xi32, #tpu.memory_space<hbm>> -> memref<512xi32, #tpu.memory_space<hbm>>
      tpu.wait_dma2 semaphore(%run_scoped3A : memref<!tpu.dma_semaphore, #tpu.memory_space<semaphore_mem>>) src(%dma_wait3A_313 : memref<512xi32, #tpu.memory_space<hbm>>) dst(%arg6 : memref<512xi32, #tpu.memory_space<vmem>>)
      tpu.yield
    }) : () -> ()
    %mul3A_3 = arith.constant 2560 : i32
    %mul3A_4 = arith.muli %add3A, %mul3A_3 : i32
    "tpu.region"() ({
      %run_scoped3A = tpu.sem_alloc : memref<!tpu.dma_semaphore, #tpu.memory_space<semaphore_mem>>
      %dma_start3A_310 = tpu.memref_slice %arg4[%mul3A_4] : memref<81920xi32, #tpu.memory_space<hbm>> -> memref<2560xi32, #tpu.memory_space<hbm>>
      %dma_start3A_311 = tpu.memref_slice %arg4[%mul3A_4] : memref<81920xi32, #tpu.memory_space<hbm>> -> memref<2560xi32, #tpu.memory_space<hbm>>
      tpu.enqueue_dma source(%dma_start3A_311 : memref<2560xi32, #tpu.memory_space<hbm>>) target(%arg7 : memref<2560xi32, #tpu.memory_space<vmem>>) target_semaphore(%run_scoped3A : memref<!tpu.dma_semaphore, #tpu.memory_space<semaphore_mem>>)
      %dma_wait3A_312 = tpu.memref_slice %arg4[%mul3A_4] : memref<81920xi32, #tpu.memory_space<hbm>> -> memref<2560xi32, #tpu.memory_space<hbm>>
      %dma_wait3A_313 = tpu.memref_slice %arg4[%mul3A_4] : memref<81920xi32, #tpu.memory_space<hbm>> -> memref<2560xi32, #tpu.memory_space<hbm>>
      tpu.wait_dma2 semaphore(%run_scoped3A : memref<!tpu.dma_semaphore, #tpu.memory_space<semaphore_mem>>) src(%dma_wait3A_313 : memref<2560xi32, #tpu.memory_space<hbm>>) dst(%arg7 : memref<2560xi32, #tpu.memory_space<vmem>>)
      tpu.yield
    }) : () -> ()
    %dma_start3A = arith.constant 0 : i32
    %dma_start3A_5 = tpu.memref_slice %arg8[%dma_start3A] : memref<512xf32, #tpu.memory_space<vmem>> -> memref<128xf32, #tpu.memory_space<vmem>>
    %dma_start3A_6 = arith.constant 0 : i32
    %dma_start3A_7 = tpu.memref_slice %arg6[%dma_start3A_6] : memref<512xi32, #tpu.memory_space<vmem>> -> memref<128xi32, #tpu.memory_space<vmem>>
    %dma_start3A_8 = arith.constant 0 : i32
    %dma_start3A_9 = tpu.memref_slice %arg2[%dma_start3A_8] : memref<1000000xf32, #tpu.memory_space<hbm>> -> memref<1000000xf32, #tpu.memory_space<hbm>>
    tpu.enqueue_indirect_dma source(%dma_start3A_9 : memref<1000000xf32, #tpu.memory_space<hbm>>) target(%dma_start3A_5 : memref<128xf32, #tpu.memory_space<vmem>>) offsets(%dma_start3A_7 : memref<128xi32, #tpu.memory_space<vmem>>) semaphore(%arg11 : memref<!tpu.dma_semaphore, #tpu.memory_space<semaphore_mem>>)
    %dma_start3A_10 = arith.constant 128 : i32
    %dma_start3A_11 = tpu.memref_slice %arg8[%dma_start3A_10] : memref<512xf32, #tpu.memory_space<vmem>> -> memref<128xf32, #tpu.memory_space<vmem>>
    %dma_start3A_12 = arith.constant 128 : i32
    %dma_start3A_13 = tpu.memref_slice %arg6[%dma_start3A_12] : memref<512xi32, #tpu.memory_space<vmem>> -> memref<128xi32, #tpu.memory_space<vmem>>
    %dma_start3A_14 = arith.constant 0 : i32
    %dma_start3A_15 = tpu.memref_slice %arg2[%dma_start3A_14] : memref<1000000xf32, #tpu.memory_space<hbm>> -> memref<1000000xf32, #tpu.memory_space<hbm>>
    tpu.enqueue_indirect_dma source(%dma_start3A_15 : memref<1000000xf32, #tpu.memory_space<hbm>>) target(%dma_start3A_11 : memref<128xf32, #tpu.memory_space<vmem>>) offsets(%dma_start3A_13 : memref<128xi32, #tpu.memory_space<vmem>>) semaphore(%arg11 : memref<!tpu.dma_semaphore, #tpu.memory_space<semaphore_mem>>)
    %dma_start3A_16 = arith.constant 256 : i32
    %dma_start3A_17 = tpu.memref_slice %arg8[%dma_start3A_16] : memref<512xf32, #tpu.memory_space<vmem>> -> memref<128xf32, #tpu.memory_space<vmem>>
    %dma_start3A_18 = arith.constant 256 : i32
    %dma_start3A_19 = tpu.memref_slice %arg6[%dma_start3A_18] : memref<512xi32, #tpu.memory_space<vmem>> -> memref<128xi32, #tpu.memory_space<vmem>>
    %dma_start3A_20 = arith.constant 0 : i32
    %dma_start3A_21 = tpu.memref_slice %arg2[%dma_start3A_20] : memref<1000000xf32, #tpu.memory_space<hbm>> -> memref<1000000xf32, #tpu.memory_space<hbm>>
    tpu.enqueue_indirect_dma source(%dma_start3A_21 : memref<1000000xf32, #tpu.memory_space<hbm>>) target(%dma_start3A_17 : memref<128xf32, #tpu.memory_space<vmem>>) offsets(%dma_start3A_19 : memref<128xi32, #tpu.memory_space<vmem>>) semaphore(%arg11 : memref<!tpu.dma_semaphore, #tpu.memory_space<semaphore_mem>>)
    %dma_start3A_22 = arith.constant 384 : i32
    %dma_start3A_23 = tpu.memref_slice %arg8[%dma_start3A_22] : memref<512xf32, #tpu.memory_space<vmem>> -> memref<128xf32, #tpu.memory_space<vmem>>
    %dma_start3A_24 = arith.constant 384 : i32
    %dma_start3A_25 = tpu.memref_slice %arg6[%dma_start3A_24] : memref<512xi32, #tpu.memory_space<vmem>> -> memref<128xi32, #tpu.memory_space<vmem>>
    %dma_start3A_26 = arith.constant 0 : i32
    %dma_start3A_27 = tpu.memref_slice %arg2[%dma_start3A_26] : memref<1000000xf32, #tpu.memory_space<hbm>> -> memref<1000000xf32, #tpu.memory_space<hbm>>
    tpu.enqueue_indirect_dma source(%dma_start3A_27 : memref<1000000xf32, #tpu.memory_space<hbm>>) target(%dma_start3A_23 : memref<128xf32, #tpu.memory_space<vmem>>) offsets(%dma_start3A_25 : memref<128xi32, #tpu.memory_space<vmem>>) semaphore(%arg11 : memref<!tpu.dma_semaphore, #tpu.memory_space<semaphore_mem>>)
    %dma_start3A_28 = arith.constant 0 : i32
    %dma_start3A_29 = tpu.memref_slice %arg9[%dma_start3A_28] : memref<2560xf32, #tpu.memory_space<vmem>> -> memref<128xf32, #tpu.memory_space<vmem>>
    %dma_start3A_30 = arith.constant 0 : i32
    %dma_start3A_31 = tpu.memref_slice %arg7[%dma_start3A_30] : memref<2560xi32, #tpu.memory_space<vmem>> -> memref<128xi32, #tpu.memory_space<vmem>>
    %dma_start3A_32 = arith.constant 0 : i32
    %dma_start3A_33 = tpu.memref_slice %arg2[%dma_start3A_32] : memref<1000000xf32, #tpu.memory_space<hbm>> -> memref<1000000xf32, #tpu.memory_space<hbm>>
    tpu.enqueue_indirect_dma source(%dma_start3A_33 : memref<1000000xf32, #tpu.memory_space<hbm>>) target(%dma_start3A_29 : memref<128xf32, #tpu.memory_space<vmem>>) offsets(%dma_start3A_31 : memref<128xi32, #tpu.memory_space<vmem>>) semaphore(%arg11 : memref<!tpu.dma_semaphore, #tpu.memory_space<semaphore_mem>>)
    %dma_start3A_34 = arith.constant 128 : i32
    %dma_start3A_35 = tpu.memref_slice %arg9[%dma_start3A_34] : memref<2560xf32, #tpu.memory_space<vmem>> -> memref<128xf32, #tpu.memory_space<vmem>>
    %dma_start3A_36 = arith.constant 128 : i32
    %dma_start3A_37 = tpu.memref_slice %arg7[%dma_start3A_36] : memref<2560xi32, #tpu.memory_space<vmem>> -> memref<128xi32, #tpu.memory_space<vmem>>
    %dma_start3A_38 = arith.constant 0 : i32
    %dma_start3A_39 = tpu.memref_slice %arg2[%dma_start3A_38] : memref<1000000xf32, #tpu.memory_space<hbm>> -> memref<1000000xf32, #tpu.memory_space<hbm>>
    tpu.enqueue_indirect_dma source(%dma_start3A_39 : memref<1000000xf32, #tpu.memory_space<hbm>>) target(%dma_start3A_35 : memref<128xf32, #tpu.memory_space<vmem>>) offsets(%dma_start3A_37 : memref<128xi32, #tpu.memory_space<vmem>>) semaphore(%arg11 : memref<!tpu.dma_semaphore, #tpu.memory_space<semaphore_mem>>)
    %dma_start3A_40 = arith.constant 256 : i32
    %dma_start3A_41 = tpu.memref_slice %arg9[%dma_start3A_40] : memref<2560xf32, #tpu.memory_space<vmem>> -> memref<128xf32, #tpu.memory_space<vmem>>
    %dma_start3A_42 = arith.constant 256 : i32
    %dma_start3A_43 = tpu.memref_slice %arg7[%dma_start3A_42] : memref<2560xi32, #tpu.memory_space<vmem>> -> memref<128xi32, #tpu.memory_space<vmem>>
    %dma_start3A_44 = arith.constant 0 : i32
    %dma_start3A_45 = tpu.memref_slice %arg2[%dma_start3A_44] : memref<1000000xf32, #tpu.memory_space<hbm>> -> memref<1000000xf32, #tpu.memory_space<hbm>>
    tpu.enqueue_indirect_dma source(%dma_start3A_45 : memref<1000000xf32, #tpu.memory_space<hbm>>) target(%dma_start3A_41 : memref<128xf32, #tpu.memory_space<vmem>>) offsets(%dma_start3A_43 : memref<128xi32, #tpu.memory_space<vmem>>) semaphore(%arg11 : memref<!tpu.dma_semaphore, #tpu.memory_space<semaphore_mem>>)
    %dma_start3A_46 = arith.constant 384 : i32
    %dma_start3A_47 = tpu.memref_slice %arg9[%dma_start3A_46] : memref<2560xf32, #tpu.memory_space<vmem>> -> memref<128xf32, #tpu.memory_space<vmem>>
    %dma_start3A_48 = arith.constant 384 : i32
    %dma_start3A_49 = tpu.memref_slice %arg7[%dma_start3A_48] : memref<2560xi32, #tpu.memory_space<vmem>> -> memref<128xi32, #tpu.memory_space<vmem>>
    %dma_start3A_50 = arith.constant 0 : i32
    %dma_start3A_51 = tpu.memref_slice %arg2[%dma_start3A_50] : memref<1000000xf32, #tpu.memory_space<hbm>> -> memref<1000000xf32, #tpu.memory_space<hbm>>
    tpu.enqueue_indirect_dma source(%dma_start3A_51 : memref<1000000xf32, #tpu.memory_space<hbm>>) target(%dma_start3A_47 : memref<128xf32, #tpu.memory_space<vmem>>) offsets(%dma_start3A_49 : memref<128xi32, #tpu.memory_space<vmem>>) semaphore(%arg11 : memref<!tpu.dma_semaphore, #tpu.memory_space<semaphore_mem>>)
    %dma_start3A_52 = arith.constant 512 : i32
    %dma_start3A_53 = tpu.memref_slice %arg9[%dma_start3A_52] : memref<2560xf32, #tpu.memory_space<vmem>> -> memref<128xf32, #tpu.memory_space<vmem>>
    %dma_start3A_54 = arith.constant 512 : i32
    %dma_start3A_55 = tpu.memref_slice %arg7[%dma_start3A_54] : memref<2560xi32, #tpu.memory_space<vmem>> -> memref<128xi32, #tpu.memory_space<vmem>>
    %dma_start3A_56 = arith.constant 0 : i32
    %dma_start3A_57 = tpu.memref_slice %arg2[%dma_start3A_56] : memref<1000000xf32, #tpu.memory_space<hbm>> -> memref<1000000xf32, #tpu.memory_space<hbm>>
    tpu.enqueue_indirect_dma source(%dma_start3A_57 : memref<1000000xf32, #tpu.memory_space<hbm>>) target(%dma_start3A_53 : memref<128xf32, #tpu.memory_space<vmem>>) offsets(%dma_start3A_55 : memref<128xi32, #tpu.memory_space<vmem>>) semaphore(%arg11 : memref<!tpu.dma_semaphore, #tpu.memory_space<semaphore_mem>>)
    %dma_start3A_58 = arith.constant 640 : i32
    %dma_start3A_59 = tpu.memref_slice %arg9[%dma_start3A_58] : memref<2560xf32, #tpu.memory_space<vmem>> -> memref<128xf32, #tpu.memory_space<vmem>>
    %dma_start3A_60 = arith.constant 640 : i32
    %dma_start3A_61 = tpu.memref_slice %arg7[%dma_start3A_60] : memref<2560xi32, #tpu.memory_space<vmem>> -> memref<128xi32, #tpu.memory_space<vmem>>
    %dma_start3A_62 = arith.constant 0 : i32
    %dma_start3A_63 = tpu.memref_slice %arg2[%dma_start3A_62] : memref<1000000xf32, #tpu.memory_space<hbm>> -> memref<1000000xf32, #tpu.memory_space<hbm>>
    tpu.enqueue_indirect_dma source(%dma_start3A_63 : memref<1000000xf32, #tpu.memory_space<hbm>>) target(%dma_start3A_59 : memref<128xf32, #tpu.memory_space<vmem>>) offsets(%dma_start3A_61 : memref<128xi32, #tpu.memory_space<vmem>>) semaphore(%arg11 : memref<!tpu.dma_semaphore, #tpu.memory_space<semaphore_mem>>)
    %dma_start3A_64 = arith.constant 768 : i32
    %dma_start3A_65 = tpu.memref_slice %arg9[%dma_start3A_64] : memref<2560xf32, #tpu.memory_space<vmem>> -> memref<128xf32, #tpu.memory_space<vmem>>
    %dma_start3A_66 = arith.constant 768 : i32
    %dma_start3A_67 = tpu.memref_slice %arg7[%dma_start3A_66] : memref<2560xi32, #tpu.memory_space<vmem>> -> memref<128xi32, #tpu.memory_space<vmem>>
    %dma_start3A_68 = arith.constant 0 : i32
    %dma_start3A_69 = tpu.memref_slice %arg2[%dma_start3A_68] : memref<1000000xf32, #tpu.memory_space<hbm>> -> memref<1000000xf32, #tpu.memory_space<hbm>>
    tpu.enqueue_indirect_dma source(%dma_start3A_69 : memref<1000000xf32, #tpu.memory_space<hbm>>) target(%dma_start3A_65 : memref<128xf32, #tpu.memory_space<vmem>>) offsets(%dma_start3A_67 : memref<128xi32, #tpu.memory_space<vmem>>) semaphore(%arg11 : memref<!tpu.dma_semaphore, #tpu.memory_space<semaphore_mem>>)
    %dma_start3A_70 = arith.constant 896 : i32
    %dma_start3A_71 = tpu.memref_slice %arg9[%dma_start3A_70] : memref<2560xf32, #tpu.memory_space<vmem>> -> memref<128xf32, #tpu.memory_space<vmem>>
    %dma_start3A_72 = arith.constant 896 : i32
    %dma_start3A_73 = tpu.memref_slice %arg7[%dma_start3A_72] : memref<2560xi32, #tpu.memory_space<vmem>> -> memref<128xi32, #tpu.memory_space<vmem>>
    %dma_start3A_74 = arith.constant 0 : i32
    %dma_start3A_75 = tpu.memref_slice %arg2[%dma_start3A_74] : memref<1000000xf32, #tpu.memory_space<hbm>> -> memref<1000000xf32, #tpu.memory_space<hbm>>
    tpu.enqueue_indirect_dma source(%dma_start3A_75 : memref<1000000xf32, #tpu.memory_space<hbm>>) target(%dma_start3A_71 : memref<128xf32, #tpu.memory_space<vmem>>) offsets(%dma_start3A_73 : memref<128xi32, #tpu.memory_space<vmem>>) semaphore(%arg11 : memref<!tpu.dma_semaphore, #tpu.memory_space<semaphore_mem>>)
    %dma_start3A_76 = arith.constant 1024 : i32
    %dma_start3A_77 = tpu.memref_slice %arg9[%dma_start3A_76] : memref<2560xf32, #tpu.memory_space<vmem>> -> memref<128xf32, #tpu.memory_space<vmem>>
    %dma_start3A_78 = arith.constant 1024 : i32
    %dma_start3A_79 = tpu.memref_slice %arg7[%dma_start3A_78] : memref<2560xi32, #tpu.memory_space<vmem>> -> memref<128xi32, #tpu.memory_space<vmem>>
    %dma_start3A_80 = arith.constant 0 : i32
    %dma_start3A_81 = tpu.memref_slice %arg2[%dma_start3A_80] : memref<1000000xf32, #tpu.memory_space<hbm>> -> memref<1000000xf32, #tpu.memory_space<hbm>>
    tpu.enqueue_indirect_dma source(%dma_start3A_81 : memref<1000000xf32, #tpu.memory_space<hbm>>) target(%dma_start3A_77 : memref<128xf32, #tpu.memory_space<vmem>>) offsets(%dma_start3A_79 : memref<128xi32, #tpu.memory_space<vmem>>) semaphore(%arg11 : memref<!tpu.dma_semaphore, #tpu.memory_space<semaphore_mem>>)
    %dma_start3A_82 = arith.constant 1152 : i32
    %dma_start3A_83 = tpu.memref_slice %arg9[%dma_start3A_82] : memref<2560xf32, #tpu.memory_space<vmem>> -> memref<128xf32, #tpu.memory_space<vmem>>
    %dma_start3A_84 = arith.constant 1152 : i32
    %dma_start3A_85 = tpu.memref_slice %arg7[%dma_start3A_84] : memref<2560xi32, #tpu.memory_space<vmem>> -> memref<128xi32, #tpu.memory_space<vmem>>
    %dma_start3A_86 = arith.constant 0 : i32
    %dma_start3A_87 = tpu.memref_slice %arg2[%dma_start3A_86] : memref<1000000xf32, #tpu.memory_space<hbm>> -> memref<1000000xf32, #tpu.memory_space<hbm>>
    tpu.enqueue_indirect_dma source(%dma_start3A_87 : memref<1000000xf32, #tpu.memory_space<hbm>>) target(%dma_start3A_83 : memref<128xf32, #tpu.memory_space<vmem>>) offsets(%dma_start3A_85 : memref<128xi32, #tpu.memory_space<vmem>>) semaphore(%arg11 : memref<!tpu.dma_semaphore, #tpu.memory_space<semaphore_mem>>)
    %dma_start3A_88 = arith.constant 1280 : i32
    %dma_start3A_89 = tpu.memref_slice %arg9[%dma_start3A_88] : memref<2560xf32, #tpu.memory_space<vmem>> -> memref<128xf32, #tpu.memory_space<vmem>>
    %dma_start3A_90 = arith.constant 1280 : i32
    %dma_start3A_91 = tpu.memref_slice %arg7[%dma_start3A_90] : memref<2560xi32, #tpu.memory_space<vmem>> -> memref<128xi32, #tpu.memory_space<vmem>>
    %dma_start3A_92 = arith.constant 0 : i32
    %dma_start3A_93 = tpu.memref_slice %arg2[%dma_start3A_92] : memref<1000000xf32, #tpu.memory_space<hbm>> -> memref<1000000xf32, #tpu.memory_space<hbm>>
    tpu.enqueue_indirect_dma source(%dma_start3A_93 : memref<1000000xf32, #tpu.memory_space<hbm>>) target(%dma_start3A_89 : memref<128xf32, #tpu.memory_space<vmem>>) offsets(%dma_start3A_91 : memref<128xi32, #tpu.memory_space<vmem>>) semaphore(%arg11 : memref<!tpu.dma_semaphore, #tpu.memory_space<semaphore_mem>>)
    %dma_start3A_94 = arith.constant 1408 : i32
    %dma_start3A_95 = tpu.memref_slice %arg9[%dma_start3A_94] : memref<2560xf32, #tpu.memory_space<vmem>> -> memref<128xf32, #tpu.memory_space<vmem>>
    %dma_start3A_96 = arith.constant 1408 : i32
    %dma_start3A_97 = tpu.memref_slice %arg7[%dma_start3A_96] : memref<2560xi32, #tpu.memory_space<vmem>> -> memref<128xi32, #tpu.memory_space<vmem>>
    %dma_start3A_98 = arith.constant 0 : i32
    %dma_start3A_99 = tpu.memref_slice %arg2[%dma_start3A_98] : memref<1000000xf32, #tpu.memory_space<hbm>> -> memref<1000000xf32, #tpu.memory_space<hbm>>
    tpu.enqueue_indirect_dma source(%dma_start3A_99 : memref<1000000xf32, #tpu.memory_space<hbm>>) target(%dma_start3A_95 : memref<128xf32, #tpu.memory_space<vmem>>) offsets(%dma_start3A_97 : memref<128xi32, #tpu.memory_space<vmem>>) semaphore(%arg11 : memref<!tpu.dma_semaphore, #tpu.memory_space<semaphore_mem>>)
    %dma_start3A_100 = arith.constant 1536 : i32
    %dma_start3A_101 = tpu.memref_slice %arg9[%dma_start3A_100] : memref<2560xf32, #tpu.memory_space<vmem>> -> memref<128xf32, #tpu.memory_space<vmem>>
    %dma_start3A_102 = arith.constant 1536 : i32
    %dma_start3A_103 = tpu.memref_slice %arg7[%dma_start3A_102] : memref<2560xi32, #tpu.memory_space<vmem>> -> memref<128xi32, #tpu.memory_space<vmem>>
    %dma_start3A_104 = arith.constant 0 : i32
    %dma_start3A_105 = tpu.memref_slice %arg2[%dma_start3A_104] : memref<1000000xf32, #tpu.memory_space<hbm>> -> memref<1000000xf32, #tpu.memory_space<hbm>>
    tpu.enqueue_indirect_dma source(%dma_start3A_105 : memref<1000000xf32, #tpu.memory_space<hbm>>) target(%dma_start3A_101 : memref<128xf32, #tpu.memory_space<vmem>>) offsets(%dma_start3A_103 : memref<128xi32, #tpu.memory_space<vmem>>) semaphore(%arg11 : memref<!tpu.dma_semaphore, #tpu.memory_space<semaphore_mem>>)
    %dma_start3A_106 = arith.constant 1664 : i32
    %dma_start3A_107 = tpu.memref_slice %arg9[%dma_start3A_106] : memref<2560xf32, #tpu.memory_space<vmem>> -> memref<128xf32, #tpu.memory_space<vmem>>
    %dma_start3A_108 = arith.constant 1664 : i32
    %dma_start3A_109 = tpu.memref_slice %arg7[%dma_start3A_108] : memref<2560xi32, #tpu.memory_space<vmem>> -> memref<128xi32, #tpu.memory_space<vmem>>
    %dma_start3A_110 = arith.constant 0 : i32
    %dma_start3A_111 = tpu.memref_slice %arg2[%dma_start3A_110] : memref<1000000xf32, #tpu.memory_space<hbm>> -> memref<1000000xf32, #tpu.memory_space<hbm>>
    tpu.enqueue_indirect_dma source(%dma_start3A_111 : memref<1000000xf32, #tpu.memory_space<hbm>>) target(%dma_start3A_107 : memref<128xf32, #tpu.memory_space<vmem>>) offsets(%dma_start3A_109 : memref<128xi32, #tpu.memory_space<vmem>>) semaphore(%arg11 : memref<!tpu.dma_semaphore, #tpu.memory_space<semaphore_mem>>)
    %dma_start3A_112 = arith.constant 1792 : i32
    %dma_start3A_113 = tpu.memref_slice %arg9[%dma_start3A_112] : memref<2560xf32, #tpu.memory_space<vmem>> -> memref<128xf32, #tpu.memory_space<vmem>>
    %dma_start3A_114 = arith.constant 1792 : i32
    %dma_start3A_115 = tpu.memref_slice %arg7[%dma_start3A_114] : memref<2560xi32, #tpu.memory_space<vmem>> -> memref<128xi32, #tpu.memory_space<vmem>>
    %dma_start3A_116 = arith.constant 0 : i32
    %dma_start3A_117 = tpu.memref_slice %arg2[%dma_start3A_116] : memref<1000000xf32, #tpu.memory_space<hbm>> -> memref<1000000xf32, #tpu.memory_space<hbm>>
    tpu.enqueue_indirect_dma source(%dma_start3A_117 : memref<1000000xf32, #tpu.memory_space<hbm>>) target(%dma_start3A_113 : memref<128xf32, #tpu.memory_space<vmem>>) offsets(%dma_start3A_115 : memref<128xi32, #tpu.memory_space<vmem>>) semaphore(%arg11 : memref<!tpu.dma_semaphore, #tpu.memory_space<semaphore_mem>>)
    %dma_start3A_118 = arith.constant 1920 : i32
    %dma_start3A_119 = tpu.memref_slice %arg9[%dma_start3A_118] : memref<2560xf32, #tpu.memory_space<vmem>> -> memref<128xf32, #tpu.memory_space<vmem>>
    %dma_start3A_120 = arith.constant 1920 : i32
    %dma_start3A_121 = tpu.memref_slice %arg7[%dma_start3A_120] : memref<2560xi32, #tpu.memory_space<vmem>> -> memref<128xi32, #tpu.memory_space<vmem>>
    %dma_start3A_122 = arith.constant 0 : i32
    %dma_start3A_123 = tpu.memref_slice %arg2[%dma_start3A_122] : memref<1000000xf32, #tpu.memory_space<hbm>> -> memref<1000000xf32, #tpu.memory_space<hbm>>
    tpu.enqueue_indirect_dma source(%dma_start3A_123 : memref<1000000xf32, #tpu.memory_space<hbm>>) target(%dma_start3A_119 : memref<128xf32, #tpu.memory_space<vmem>>) offsets(%dma_start3A_121 : memref<128xi32, #tpu.memory_space<vmem>>) semaphore(%arg11 : memref<!tpu.dma_semaphore, #tpu.memory_space<semaphore_mem>>)
    %dma_start3A_124 = arith.constant 2048 : i32
    %dma_start3A_125 = tpu.memref_slice %arg9[%dma_start3A_124] : memref<2560xf32, #tpu.memory_space<vmem>> -> memref<128xf32, #tpu.memory_space<vmem>>
    %dma_start3A_126 = arith.constant 2048 : i32
    %dma_start3A_127 = tpu.memref_slice %arg7[%dma_start3A_126] : memref<2560xi32, #tpu.memory_space<vmem>> -> memref<128xi32, #tpu.memory_space<vmem>>
    %dma_start3A_128 = arith.constant 0 : i32
    %dma_start3A_129 = tpu.memref_slice %arg2[%dma_start3A_128] : memref<1000000xf32, #tpu.memory_space<hbm>> -> memref<1000000xf32, #tpu.memory_space<hbm>>
    tpu.enqueue_indirect_dma source(%dma_start3A_129 : memref<1000000xf32, #tpu.memory_space<hbm>>) target(%dma_start3A_125 : memref<128xf32, #tpu.memory_space<vmem>>) offsets(%dma_start3A_127 : memref<128xi32, #tpu.memory_space<vmem>>) semaphore(%arg11 : memref<!tpu.dma_semaphore, #tpu.memory_space<semaphore_mem>>)
    %dma_start3A_130 = arith.constant 2176 : i32
    %dma_start3A_131 = tpu.memref_slice %arg9[%dma_start3A_130] : memref<2560xf32, #tpu.memory_space<vmem>> -> memref<128xf32, #tpu.memory_space<vmem>>
    %dma_start3A_132 = arith.constant 2176 : i32
    %dma_start3A_133 = tpu.memref_slice %arg7[%dma_start3A_132] : memref<2560xi32, #tpu.memory_space<vmem>> -> memref<128xi32, #tpu.memory_space<vmem>>
    %dma_start3A_134 = arith.constant 0 : i32
    %dma_start3A_135 = tpu.memref_slice %arg2[%dma_start3A_134] : memref<1000000xf32, #tpu.memory_space<hbm>> -> memref<1000000xf32, #tpu.memory_space<hbm>>
    tpu.enqueue_indirect_dma source(%dma_start3A_135 : memref<1000000xf32, #tpu.memory_space<hbm>>) target(%dma_start3A_131 : memref<128xf32, #tpu.memory_space<vmem>>) offsets(%dma_start3A_133 : memref<128xi32, #tpu.memory_space<vmem>>) semaphore(%arg11 : memref<!tpu.dma_semaphore, #tpu.memory_space<semaphore_mem>>)
    %dma_start3A_136 = arith.constant 2304 : i32
    %dma_start3A_137 = tpu.memref_slice %arg9[%dma_start3A_136] : memref<2560xf32, #tpu.memory_space<vmem>> -> memref<128xf32, #tpu.memory_space<vmem>>
    %dma_start3A_138 = arith.constant 2304 : i32
    %dma_start3A_139 = tpu.memref_slice %arg7[%dma_start3A_138] : memref<2560xi32, #tpu.memory_space<vmem>> -> memref<128xi32, #tpu.memory_space<vmem>>
    %dma_start3A_140 = arith.constant 0 : i32
    %dma_start3A_141 = tpu.memref_slice %arg2[%dma_start3A_140] : memref<1000000xf32, #tpu.memory_space<hbm>> -> memref<1000000xf32, #tpu.memory_space<hbm>>
    tpu.enqueue_indirect_dma source(%dma_start3A_141 : memref<1000000xf32, #tpu.memory_space<hbm>>) target(%dma_start3A_137 : memref<128xf32, #tpu.memory_space<vmem>>) offsets(%dma_start3A_139 : memref<128xi32, #tpu.memory_space<vmem>>) semaphore(%arg11 : memref<!tpu.dma_semaphore, #tpu.memory_space<semaphore_mem>>)
    %dma_start3A_142 = arith.constant 2432 : i32
    %dma_start3A_143 = tpu.memref_slice %arg9[%dma_start3A_142] : memref<2560xf32, #tpu.memory_space<vmem>> -> memref<128xf32, #tpu.memory_space<vmem>>
    %dma_start3A_144 = arith.constant 2432 : i32
    %dma_start3A_145 = tpu.memref_slice %arg7[%dma_start3A_144] : memref<2560xi32, #tpu.memory_space<vmem>> -> memref<128xi32, #tpu.memory_space<vmem>>
    %dma_start3A_146 = arith.constant 0 : i32
    %dma_start3A_147 = tpu.memref_slice %arg2[%dma_start3A_146] : memref<1000000xf32, #tpu.memory_space<hbm>> -> memref<1000000xf32, #tpu.memory_space<hbm>>
    tpu.enqueue_indirect_dma source(%dma_start3A_147 : memref<1000000xf32, #tpu.memory_space<hbm>>) target(%dma_start3A_143 : memref<128xf32, #tpu.memory_space<vmem>>) offsets(%dma_start3A_145 : memref<128xi32, #tpu.memory_space<vmem>>) semaphore(%arg11 : memref<!tpu.dma_semaphore, #tpu.memory_space<semaphore_mem>>)
    %dma_wait3A = arith.constant 0 : i32
    %dma_wait3A_148 = tpu.memref_slice %arg8[%dma_wait3A] : memref<512xf32, #tpu.memory_space<vmem>> -> memref<128xf32, #tpu.memory_space<vmem>>
    %dma_wait3A_149 = arith.constant 0 : i32
    %dma_wait3A_150 = tpu.memref_slice %arg6[%dma_wait3A_149] : memref<512xi32, #tpu.memory_space<vmem>> -> memref<128xi32, #tpu.memory_space<vmem>>
    %dma_wait3A_151 = arith.constant 0 : i32
    %dma_wait3A_152 = tpu.memref_slice %arg2[%dma_wait3A_151] : memref<1000000xf32, #tpu.memory_space<hbm>> -> memref<1000000xf32, #tpu.memory_space<hbm>>
    tpu.wait_indirect_dma semaphore(%arg11 : memref<!tpu.dma_semaphore, #tpu.memory_space<semaphore_mem>>) src(%dma_wait3A_152 : memref<1000000xf32, #tpu.memory_space<hbm>>) dst(%dma_wait3A_148 : memref<128xf32, #tpu.memory_space<vmem>>)
    %dma_wait3A_153 = arith.constant 128 : i32
    %dma_wait3A_154 = tpu.memref_slice %arg8[%dma_wait3A_153] : memref<512xf32, #tpu.memory_space<vmem>> -> memref<128xf32, #tpu.memory_space<vmem>>
    %dma_wait3A_155 = arith.constant 128 : i32
    %dma_wait3A_156 = tpu.memref_slice %arg6[%dma_wait3A_155] : memref<512xi32, #tpu.memory_space<vmem>> -> memref<128xi32, #tpu.memory_space<vmem>>
    %dma_wait3A_157 = arith.constant 0 : i32
    %dma_wait3A_158 = tpu.memref_slice %arg2[%dma_wait3A_157] : memref<1000000xf32, #tpu.memory_space<hbm>> -> memref<1000000xf32, #tpu.memory_space<hbm>>
    tpu.wait_indirect_dma semaphore(%arg11 : memref<!tpu.dma_semaphore, #tpu.memory_space<semaphore_mem>>) src(%dma_wait3A_158 : memref<1000000xf32, #tpu.memory_space<hbm>>) dst(%dma_wait3A_154 : memref<128xf32, #tpu.memory_space<vmem>>)
    %dma_wait3A_159 = arith.constant 256 : i32
    %dma_wait3A_160 = tpu.memref_slice %arg8[%dma_wait3A_159] : memref<512xf32, #tpu.memory_space<vmem>> -> memref<128xf32, #tpu.memory_space<vmem>>
    %dma_wait3A_161 = arith.constant 256 : i32
    %dma_wait3A_162 = tpu.memref_slice %arg6[%dma_wait3A_161] : memref<512xi32, #tpu.memory_space<vmem>> -> memref<128xi32, #tpu.memory_space<vmem>>
    %dma_wait3A_163 = arith.constant 0 : i32
    %dma_wait3A_164 = tpu.memref_slice %arg2[%dma_wait3A_163] : memref<1000000xf32, #tpu.memory_space<hbm>> -> memref<1000000xf32, #tpu.memory_space<hbm>>
    tpu.wait_indirect_dma semaphore(%arg11 : memref<!tpu.dma_semaphore, #tpu.memory_space<semaphore_mem>>) src(%dma_wait3A_164 : memref<1000000xf32, #tpu.memory_space<hbm>>) dst(%dma_wait3A_160 : memref<128xf32, #tpu.memory_space<vmem>>)
    %dma_wait3A_165 = arith.constant 384 : i32
    %dma_wait3A_166 = tpu.memref_slice %arg8[%dma_wait3A_165] : memref<512xf32, #tpu.memory_space<vmem>> -> memref<128xf32, #tpu.memory_space<vmem>>
    %dma_wait3A_167 = arith.constant 384 : i32
    %dma_wait3A_168 = tpu.memref_slice %arg6[%dma_wait3A_167] : memref<512xi32, #tpu.memory_space<vmem>> -> memref<128xi32, #tpu.memory_space<vmem>>
    %dma_wait3A_169 = arith.constant 0 : i32
    %dma_wait3A_170 = tpu.memref_slice %arg2[%dma_wait3A_169] : memref<1000000xf32, #tpu.memory_space<hbm>> -> memref<1000000xf32, #tpu.memory_space<hbm>>
    tpu.wait_indirect_dma semaphore(%arg11 : memref<!tpu.dma_semaphore, #tpu.memory_space<semaphore_mem>>) src(%dma_wait3A_170 : memref<1000000xf32, #tpu.memory_space<hbm>>) dst(%dma_wait3A_166 : memref<128xf32, #tpu.memory_space<vmem>>)
    %dma_wait3A_171 = arith.constant 0 : i32
    %dma_wait3A_172 = tpu.memref_slice %arg9[%dma_wait3A_171] : memref<2560xf32, #tpu.memory_space<vmem>> -> memref<128xf32, #tpu.memory_space<vmem>>
    %dma_wait3A_173 = arith.constant 0 : i32
    %dma_wait3A_174 = tpu.memref_slice %arg7[%dma_wait3A_173] : memref<2560xi32, #tpu.memory_space<vmem>> -> memref<128xi32, #tpu.memory_space<vmem>>
    %dma_wait3A_175 = arith.constant 0 : i32
    %dma_wait3A_176 = tpu.memref_slice %arg2[%dma_wait3A_175] : memref<1000000xf32, #tpu.memory_space<hbm>> -> memref<1000000xf32, #tpu.memory_space<hbm>>
    tpu.wait_indirect_dma semaphore(%arg11 : memref<!tpu.dma_semaphore, #tpu.memory_space<semaphore_mem>>) src(%dma_wait3A_176 : memref<1000000xf32, #tpu.memory_space<hbm>>) dst(%dma_wait3A_172 : memref<128xf32, #tpu.memory_space<vmem>>)
    %dma_wait3A_177 = arith.constant 128 : i32
    %dma_wait3A_178 = tpu.memref_slice %arg9[%dma_wait3A_177] : memref<2560xf32, #tpu.memory_space<vmem>> -> memref<128xf32, #tpu.memory_space<vmem>>
    %dma_wait3A_179 = arith.constant 128 : i32
    %dma_wait3A_180 = tpu.memref_slice %arg7[%dma_wait3A_179] : memref<2560xi32, #tpu.memory_space<vmem>> -> memref<128xi32, #tpu.memory_space<vmem>>
    %dma_wait3A_181 = arith.constant 0 : i32
    %dma_wait3A_182 = tpu.memref_slice %arg2[%dma_wait3A_181] : memref<1000000xf32, #tpu.memory_space<hbm>> -> memref<1000000xf32, #tpu.memory_space<hbm>>
    tpu.wait_indirect_dma semaphore(%arg11 : memref<!tpu.dma_semaphore, #tpu.memory_space<semaphore_mem>>) src(%dma_wait3A_182 : memref<1000000xf32, #tpu.memory_space<hbm>>) dst(%dma_wait3A_178 : memref<128xf32, #tpu.memory_space<vmem>>)
    %dma_wait3A_183 = arith.constant 256 : i32
    %dma_wait3A_184 = tpu.memref_slice %arg9[%dma_wait3A_183] : memref<2560xf32, #tpu.memory_space<vmem>> -> memref<128xf32, #tpu.memory_space<vmem>>
    %dma_wait3A_185 = arith.constant 256 : i32
    %dma_wait3A_186 = tpu.memref_slice %arg7[%dma_wait3A_185] : memref<2560xi32, #tpu.memory_space<vmem>> -> memref<128xi32, #tpu.memory_space<vmem>>
    %dma_wait3A_187 = arith.constant 0 : i32
    %dma_wait3A_188 = tpu.memref_slice %arg2[%dma_wait3A_187] : memref<1000000xf32, #tpu.memory_space<hbm>> -> memref<1000000xf32, #tpu.memory_space<hbm>>
    tpu.wait_indirect_dma semaphore(%arg11 : memref<!tpu.dma_semaphore, #tpu.memory_space<semaphore_mem>>) src(%dma_wait3A_188 : memref<1000000xf32, #tpu.memory_space<hbm>>) dst(%dma_wait3A_184 : memref<128xf32, #tpu.memory_space<vmem>>)
    %dma_wait3A_189 = arith.constant 384 : i32
    %dma_wait3A_190 = tpu.memref_slice %arg9[%dma_wait3A_189] : memref<2560xf32, #tpu.memory_space<vmem>> -> memref<128xf32, #tpu.memory_space<vmem>>
    %dma_wait3A_191 = arith.constant 384 : i32
    %dma_wait3A_192 = tpu.memref_slice %arg7[%dma_wait3A_191] : memref<2560xi32, #tpu.memory_space<vmem>> -> memref<128xi32, #tpu.memory_space<vmem>>
    %dma_wait3A_193 = arith.constant 0 : i32
    %dma_wait3A_194 = tpu.memref_slice %arg2[%dma_wait3A_193] : memref<1000000xf32, #tpu.memory_space<hbm>> -> memref<1000000xf32, #tpu.memory_space<hbm>>
    tpu.wait_indirect_dma semaphore(%arg11 : memref<!tpu.dma_semaphore, #tpu.memory_space<semaphore_mem>>) src(%dma_wait3A_194 : memref<1000000xf32, #tpu.memory_space<hbm>>) dst(%dma_wait3A_190 : memref<128xf32, #tpu.memory_space<vmem>>)
    %dma_wait3A_195 = arith.constant 512 : i32
    %dma_wait3A_196 = tpu.memref_slice %arg9[%dma_wait3A_195] : memref<2560xf32, #tpu.memory_space<vmem>> -> memref<128xf32, #tpu.memory_space<vmem>>
    %dma_wait3A_197 = arith.constant 512 : i32
    %dma_wait3A_198 = tpu.memref_slice %arg7[%dma_wait3A_197] : memref<2560xi32, #tpu.memory_space<vmem>> -> memref<128xi32, #tpu.memory_space<vmem>>
    %dma_wait3A_199 = arith.constant 0 : i32
    %dma_wait3A_200 = tpu.memref_slice %arg2[%dma_wait3A_199] : memref<1000000xf32, #tpu.memory_space<hbm>> -> memref<1000000xf32, #tpu.memory_space<hbm>>
    tpu.wait_indirect_dma semaphore(%arg11 : memref<!tpu.dma_semaphore, #tpu.memory_space<semaphore_mem>>) src(%dma_wait3A_200 : memref<1000000xf32, #tpu.memory_space<hbm>>) dst(%dma_wait3A_196 : memref<128xf32, #tpu.memory_space<vmem>>)
    %dma_wait3A_201 = arith.constant 640 : i32
    %dma_wait3A_202 = tpu.memref_slice %arg9[%dma_wait3A_201] : memref<2560xf32, #tpu.memory_space<vmem>> -> memref<128xf32, #tpu.memory_space<vmem>>
    %dma_wait3A_203 = arith.constant 640 : i32
    %dma_wait3A_204 = tpu.memref_slice %arg7[%dma_wait3A_203] : memref<2560xi32, #tpu.memory_space<vmem>> -> memref<128xi32, #tpu.memory_space<vmem>>
    %dma_wait3A_205 = arith.constant 0 : i32
    %dma_wait3A_206 = tpu.memref_slice %arg2[%dma_wait3A_205] : memref<1000000xf32, #tpu.memory_space<hbm>> -> memref<1000000xf32, #tpu.memory_space<hbm>>
    tpu.wait_indirect_dma semaphore(%arg11 : memref<!tpu.dma_semaphore, #tpu.memory_space<semaphore_mem>>) src(%dma_wait3A_206 : memref<1000000xf32, #tpu.memory_space<hbm>>) dst(%dma_wait3A_202 : memref<128xf32, #tpu.memory_space<vmem>>)
    %dma_wait3A_207 = arith.constant 768 : i32
    %dma_wait3A_208 = tpu.memref_slice %arg9[%dma_wait3A_207] : memref<2560xf32, #tpu.memory_space<vmem>> -> memref<128xf32, #tpu.memory_space<vmem>>
    %dma_wait3A_209 = arith.constant 768 : i32
    %dma_wait3A_210 = tpu.memref_slice %arg7[%dma_wait3A_209] : memref<2560xi32, #tpu.memory_space<vmem>> -> memref<128xi32, #tpu.memory_space<vmem>>
    %dma_wait3A_211 = arith.constant 0 : i32
    %dma_wait3A_212 = tpu.memref_slice %arg2[%dma_wait3A_211] : memref<1000000xf32, #tpu.memory_space<hbm>> -> memref<1000000xf32, #tpu.memory_space<hbm>>
    tpu.wait_indirect_dma semaphore(%arg11 : memref<!tpu.dma_semaphore, #tpu.memory_space<semaphore_mem>>) src(%dma_wait3A_212 : memref<1000000xf32, #tpu.memory_space<hbm>>) dst(%dma_wait3A_208 : memref<128xf32, #tpu.memory_space<vmem>>)
    %dma_wait3A_213 = arith.constant 896 : i32
    %dma_wait3A_214 = tpu.memref_slice %arg9[%dma_wait3A_213] : memref<2560xf32, #tpu.memory_space<vmem>> -> memref<128xf32, #tpu.memory_space<vmem>>
    %dma_wait3A_215 = arith.constant 896 : i32
    %dma_wait3A_216 = tpu.memref_slice %arg7[%dma_wait3A_215] : memref<2560xi32, #tpu.memory_space<vmem>> -> memref<128xi32, #tpu.memory_space<vmem>>
    %dma_wait3A_217 = arith.constant 0 : i32
    %dma_wait3A_218 = tpu.memref_slice %arg2[%dma_wait3A_217] : memref<1000000xf32, #tpu.memory_space<hbm>> -> memref<1000000xf32, #tpu.memory_space<hbm>>
    tpu.wait_indirect_dma semaphore(%arg11 : memref<!tpu.dma_semaphore, #tpu.memory_space<semaphore_mem>>) src(%dma_wait3A_218 : memref<1000000xf32, #tpu.memory_space<hbm>>) dst(%dma_wait3A_214 : memref<128xf32, #tpu.memory_space<vmem>>)
    %dma_wait3A_219 = arith.constant 1024 : i32
    %dma_wait3A_220 = tpu.memref_slice %arg9[%dma_wait3A_219] : memref<2560xf32, #tpu.memory_space<vmem>> -> memref<128xf32, #tpu.memory_space<vmem>>
    %dma_wait3A_221 = arith.constant 1024 : i32
    %dma_wait3A_222 = tpu.memref_slice %arg7[%dma_wait3A_221] : memref<2560xi32, #tpu.memory_space<vmem>> -> memref<128xi32, #tpu.memory_space<vmem>>
    %dma_wait3A_223 = arith.constant 0 : i32
    %dma_wait3A_224 = tpu.memref_slice %arg2[%dma_wait3A_223] : memref<1000000xf32, #tpu.memory_space<hbm>> -> memref<1000000xf32, #tpu.memory_space<hbm>>
    tpu.wait_indirect_dma semaphore(%arg11 : memref<!tpu.dma_semaphore, #tpu.memory_space<semaphore_mem>>) src(%dma_wait3A_224 : memref<1000000xf32, #tpu.memory_space<hbm>>) dst(%dma_wait3A_220 : memref<128xf32, #tpu.memory_space<vmem>>)
    %dma_wait3A_225 = arith.constant 1152 : i32
    %dma_wait3A_226 = tpu.memref_slice %arg9[%dma_wait3A_225] : memref<2560xf32, #tpu.memory_space<vmem>> -> memref<128xf32, #tpu.memory_space<vmem>>
    %dma_wait3A_227 = arith.constant 1152 : i32
    %dma_wait3A_228 = tpu.memref_slice %arg7[%dma_wait3A_227] : memref<2560xi32, #tpu.memory_space<vmem>> -> memref<128xi32, #tpu.memory_space<vmem>>
    %dma_wait3A_229 = arith.constant 0 : i32
    %dma_wait3A_230 = tpu.memref_slice %arg2[%dma_wait3A_229] : memref<1000000xf32, #tpu.memory_space<hbm>> -> memref<1000000xf32, #tpu.memory_space<hbm>>
    tpu.wait_indirect_dma semaphore(%arg11 : memref<!tpu.dma_semaphore, #tpu.memory_space<semaphore_mem>>) src(%dma_wait3A_230 : memref<1000000xf32, #tpu.memory_space<hbm>>) dst(%dma_wait3A_226 : memref<128xf32, #tpu.memory_space<vmem>>)
    %dma_wait3A_231 = arith.constant 1280 : i32
    %dma_wait3A_232 = tpu.memref_slice %arg9[%dma_wait3A_231] : memref<2560xf32, #tpu.memory_space<vmem>> -> memref<128xf32, #tpu.memory_space<vmem>>
    %dma_wait3A_233 = arith.constant 1280 : i32
    %dma_wait3A_234 = tpu.memref_slice %arg7[%dma_wait3A_233] : memref<2560xi32, #tpu.memory_space<vmem>> -> memref<128xi32, #tpu.memory_space<vmem>>
    %dma_wait3A_235 = arith.constant 0 : i32
    %dma_wait3A_236 = tpu.memref_slice %arg2[%dma_wait3A_235] : memref<1000000xf32, #tpu.memory_space<hbm>> -> memref<1000000xf32, #tpu.memory_space<hbm>>
    tpu.wait_indirect_dma semaphore(%arg11 : memref<!tpu.dma_semaphore, #tpu.memory_space<semaphore_mem>>) src(%dma_wait3A_236 : memref<1000000xf32, #tpu.memory_space<hbm>>) dst(%dma_wait3A_232 : memref<128xf32, #tpu.memory_space<vmem>>)
    %dma_wait3A_237 = arith.constant 1408 : i32
    %dma_wait3A_238 = tpu.memref_slice %arg9[%dma_wait3A_237] : memref<2560xf32, #tpu.memory_space<vmem>> -> memref<128xf32, #tpu.memory_space<vmem>>
    %dma_wait3A_239 = arith.constant 1408 : i32
    %dma_wait3A_240 = tpu.memref_slice %arg7[%dma_wait3A_239] : memref<2560xi32, #tpu.memory_space<vmem>> -> memref<128xi32, #tpu.memory_space<vmem>>
    %dma_wait3A_241 = arith.constant 0 : i32
    %dma_wait3A_242 = tpu.memref_slice %arg2[%dma_wait3A_241] : memref<1000000xf32, #tpu.memory_space<hbm>> -> memref<1000000xf32, #tpu.memory_space<hbm>>
    tpu.wait_indirect_dma semaphore(%arg11 : memref<!tpu.dma_semaphore, #tpu.memory_space<semaphore_mem>>) src(%dma_wait3A_242 : memref<1000000xf32, #tpu.memory_space<hbm>>) dst(%dma_wait3A_238 : memref<128xf32, #tpu.memory_space<vmem>>)
    %dma_wait3A_243 = arith.constant 1536 : i32
    %dma_wait3A_244 = tpu.memref_slice %arg9[%dma_wait3A_243] : memref<2560xf32, #tpu.memory_space<vmem>> -> memref<128xf32, #tpu.memory_space<vmem>>
    %dma_wait3A_245 = arith.constant 1536 : i32
    %dma_wait3A_246 = tpu.memref_slice %arg7[%dma_wait3A_245] : memref<2560xi32, #tpu.memory_space<vmem>> -> memref<128xi32, #tpu.memory_space<vmem>>
    %dma_wait3A_247 = arith.constant 0 : i32
    %dma_wait3A_248 = tpu.memref_slice %arg2[%dma_wait3A_247] : memref<1000000xf32, #tpu.memory_space<hbm>> -> memref<1000000xf32, #tpu.memory_space<hbm>>
    tpu.wait_indirect_dma semaphore(%arg11 : memref<!tpu.dma_semaphore, #tpu.memory_space<semaphore_mem>>) src(%dma_wait3A_248 : memref<1000000xf32, #tpu.memory_space<hbm>>) dst(%dma_wait3A_244 : memref<128xf32, #tpu.memory_space<vmem>>)
    %dma_wait3A_249 = arith.constant 1664 : i32
    %dma_wait3A_250 = tpu.memref_slice %arg9[%dma_wait3A_249] : memref<2560xf32, #tpu.memory_space<vmem>> -> memref<128xf32, #tpu.memory_space<vmem>>
    %dma_wait3A_251 = arith.constant 1664 : i32
    %dma_wait3A_252 = tpu.memref_slice %arg7[%dma_wait3A_251] : memref<2560xi32, #tpu.memory_space<vmem>> -> memref<128xi32, #tpu.memory_space<vmem>>
    %dma_wait3A_253 = arith.constant 0 : i32
    %dma_wait3A_254 = tpu.memref_slice %arg2[%dma_wait3A_253] : memref<1000000xf32, #tpu.memory_space<hbm>> -> memref<1000000xf32, #tpu.memory_space<hbm>>
    tpu.wait_indirect_dma semaphore(%arg11 : memref<!tpu.dma_semaphore, #tpu.memory_space<semaphore_mem>>) src(%dma_wait3A_254 : memref<1000000xf32, #tpu.memory_space<hbm>>) dst(%dma_wait3A_250 : memref<128xf32, #tpu.memory_space<vmem>>)
    %dma_wait3A_255 = arith.constant 1792 : i32
    %dma_wait3A_256 = tpu.memref_slice %arg9[%dma_wait3A_255] : memref<2560xf32, #tpu.memory_space<vmem>> -> memref<128xf32, #tpu.memory_space<vmem>>
    %dma_wait3A_257 = arith.constant 1792 : i32
    %dma_wait3A_258 = tpu.memref_slice %arg7[%dma_wait3A_257] : memref<2560xi32, #tpu.memory_space<vmem>> -> memref<128xi32, #tpu.memory_space<vmem>>
    %dma_wait3A_259 = arith.constant 0 : i32
    %dma_wait3A_260 = tpu.memref_slice %arg2[%dma_wait3A_259] : memref<1000000xf32, #tpu.memory_space<hbm>> -> memref<1000000xf32, #tpu.memory_space<hbm>>
    tpu.wait_indirect_dma semaphore(%arg11 : memref<!tpu.dma_semaphore, #tpu.memory_space<semaphore_mem>>) src(%dma_wait3A_260 : memref<1000000xf32, #tpu.memory_space<hbm>>) dst(%dma_wait3A_256 : memref<128xf32, #tpu.memory_space<vmem>>)
    %dma_wait3A_261 = arith.constant 1920 : i32
    %dma_wait3A_262 = tpu.memref_slice %arg9[%dma_wait3A_261] : memref<2560xf32, #tpu.memory_space<vmem>> -> memref<128xf32, #tpu.memory_space<vmem>>
    %dma_wait3A_263 = arith.constant 1920 : i32
    %dma_wait3A_264 = tpu.memref_slice %arg7[%dma_wait3A_263] : memref<2560xi32, #tpu.memory_space<vmem>> -> memref<128xi32, #tpu.memory_space<vmem>>
    %dma_wait3A_265 = arith.constant 0 : i32
    %dma_wait3A_266 = tpu.memref_slice %arg2[%dma_wait3A_265] : memref<1000000xf32, #tpu.memory_space<hbm>> -> memref<1000000xf32, #tpu.memory_space<hbm>>
    tpu.wait_indirect_dma semaphore(%arg11 : memref<!tpu.dma_semaphore, #tpu.memory_space<semaphore_mem>>) src(%dma_wait3A_266 : memref<1000000xf32, #tpu.memory_space<hbm>>) dst(%dma_wait3A_262 : memref<128xf32, #tpu.memory_space<vmem>>)
    %dma_wait3A_267 = arith.constant 2048 : i32
    %dma_wait3A_268 = tpu.memref_slice %arg9[%dma_wait3A_267] : memref<2560xf32, #tpu.memory_space<vmem>> -> memref<128xf32, #tpu.memory_space<vmem>>
    %dma_wait3A_269 = arith.constant 2048 : i32
    %dma_wait3A_270 = tpu.memref_slice %arg7[%dma_wait3A_269] : memref<2560xi32, #tpu.memory_space<vmem>> -> memref<128xi32, #tpu.memory_space<vmem>>
    %dma_wait3A_271 = arith.constant 0 : i32
    %dma_wait3A_272 = tpu.memref_slice %arg2[%dma_wait3A_271] : memref<1000000xf32, #tpu.memory_space<hbm>> -> memref<1000000xf32, #tpu.memory_space<hbm>>
    tpu.wait_indirect_dma semaphore(%arg11 : memref<!tpu.dma_semaphore, #tpu.memory_space<semaphore_mem>>) src(%dma_wait3A_272 : memref<1000000xf32, #tpu.memory_space<hbm>>) dst(%dma_wait3A_268 : memref<128xf32, #tpu.memory_space<vmem>>)
    %dma_wait3A_273 = arith.constant 2176 : i32
    %dma_wait3A_274 = tpu.memref_slice %arg9[%dma_wait3A_273] : memref<2560xf32, #tpu.memory_space<vmem>> -> memref<128xf32, #tpu.memory_space<vmem>>
    %dma_wait3A_275 = arith.constant 2176 : i32
    %dma_wait3A_276 = tpu.memref_slice %arg7[%dma_wait3A_275] : memref<2560xi32, #tpu.memory_space<vmem>> -> memref<128xi32, #tpu.memory_space<vmem>>
    %dma_wait3A_277 = arith.constant 0 : i32
    %dma_wait3A_278 = tpu.memref_slice %arg2[%dma_wait3A_277] : memref<1000000xf32, #tpu.memory_space<hbm>> -> memref<1000000xf32, #tpu.memory_space<hbm>>
    tpu.wait_indirect_dma semaphore(%arg11 : memref<!tpu.dma_semaphore, #tpu.memory_space<semaphore_mem>>) src(%dma_wait3A_278 : memref<1000000xf32, #tpu.memory_space<hbm>>) dst(%dma_wait3A_274 : memref<128xf32, #tpu.memory_space<vmem>>)
    %dma_wait3A_279 = arith.constant 2304 : i32
    %dma_wait3A_280 = tpu.memref_slice %arg9[%dma_wait3A_279] : memref<2560xf32, #tpu.memory_space<vmem>> -> memref<128xf32, #tpu.memory_space<vmem>>
    %dma_wait3A_281 = arith.constant 2304 : i32
    %dma_wait3A_282 = tpu.memref_slice %arg7[%dma_wait3A_281] : memref<2560xi32, #tpu.memory_space<vmem>> -> memref<128xi32, #tpu.memory_space<vmem>>
    %dma_wait3A_283 = arith.constant 0 : i32
    %dma_wait3A_284 = tpu.memref_slice %arg2[%dma_wait3A_283] : memref<1000000xf32, #tpu.memory_space<hbm>> -> memref<1000000xf32, #tpu.memory_space<hbm>>
    tpu.wait_indirect_dma semaphore(%arg11 : memref<!tpu.dma_semaphore, #tpu.memory_space<semaphore_mem>>) src(%dma_wait3A_284 : memref<1000000xf32, #tpu.memory_space<hbm>>) dst(%dma_wait3A_280 : memref<128xf32, #tpu.memory_space<vmem>>)
    %dma_wait3A_285 = arith.constant 2432 : i32
    %dma_wait3A_286 = tpu.memref_slice %arg9[%dma_wait3A_285] : memref<2560xf32, #tpu.memory_space<vmem>> -> memref<128xf32, #tpu.memory_space<vmem>>
    %dma_wait3A_287 = arith.constant 2432 : i32
    %dma_wait3A_288 = tpu.memref_slice %arg7[%dma_wait3A_287] : memref<2560xi32, #tpu.memory_space<vmem>> -> memref<128xi32, #tpu.memory_space<vmem>>
    %dma_wait3A_289 = arith.constant 0 : i32
    %dma_wait3A_290 = tpu.memref_slice %arg2[%dma_wait3A_289] : memref<1000000xf32, #tpu.memory_space<hbm>> -> memref<1000000xf32, #tpu.memory_space<hbm>>
    tpu.wait_indirect_dma semaphore(%arg11 : memref<!tpu.dma_semaphore, #tpu.memory_space<semaphore_mem>>) src(%dma_wait3A_290 : memref<1000000xf32, #tpu.memory_space<hbm>>) dst(%dma_wait3A_286 : memref<128xf32, #tpu.memory_space<vmem>>)
    %broadcast_in_dim3A = arith.constant 0.000000e+00 : f32
    %broadcast_in_dim3A_291 = vector.broadcast %broadcast_in_dim3A : f32 to vector<16xf32>
    %scan3A = arith.constant 0 : i32
    %scan3A_292 = arith.constant 32 : i32
    %scan3A_293 = arith.addi %scan3A, %scan3A_292 : i32
    %scan3A_294 = arith.constant 1 : i32
    %scan3A_295 = scf.for %scan3A_310 = %scan3A to %scan3A_293 step %scan3A_294 iter_args(%scan3A_311 = %broadcast_in_dim3A_291) -> (vector<16xf32>)  : i32 {
      %mul3A_312 = arith.constant 16 : i32
      %mul3A_313 = arith.muli %scan3A_310, %mul3A_312 : i32
      %get3A = arith.index_cast %mul3A_313 : i32 to index
      %get3A_314 = tpu.vector_load %arg8[%get3A] {strides = array<i32>} : memref<512xf32, #tpu.memory_space<vmem>>, vector<16xf32>,
      %add3A_315 = arith.addf %scan3A_311, %get3A_314 : vector<16xf32>
      scf.yield %add3A_315 : vector<16xf32>
    }
    %scan3A_296 = arith.constant 32 : i32
    %scan3A_297 = arith.constant 0 : i32
    %scan3A_298 = arith.constant 160 : i32
    %scan3A_299 = arith.addi %scan3A_297, %scan3A_298 : i32
    %scan3A_300 = arith.constant 1 : i32
    %scan3A_301 = scf.for %scan3A_310 = %scan3A_297 to %scan3A_299 step %scan3A_300 iter_args(%scan3A_311 = %broadcast_in_dim3A_291) -> (vector<16xf32>)  : i32 {
      %mul3A_312 = arith.constant 16 : i32
      %mul3A_313 = arith.muli %scan3A_310, %mul3A_312 : i32
      %get3A = arith.index_cast %mul3A_313 : i32 to index
      %get3A_314 = tpu.vector_load %arg9[%get3A] {strides = array<i32>} : memref<2560xf32, #tpu.memory_space<vmem>>, vector<16xf32>,
      %exp3A = math.exp %get3A_314 : vector<16xf32>
      %add3A_315 = arith.addf %scan3A_311, %exp3A : vector<16xf32>
      scf.yield %add3A_315 : vector<16xf32>
    }
    %scan3A_302 = arith.constant 160 : i32
    %swap3A = arith.constant 0 : i32
    %swap3A_303 = arith.index_cast %swap3A : i32 to index
    %swap3A_304 = arith.constant 0 : index
    %swap3A_305 = tpu.vector_load %arg10[%swap3A_303, %swap3A_304] {strides = array<i32>} : memref<2x16xf32, #tpu.memory_space<vmem>>, vector<16xf32>,
    tpu.vector_store %arg10[%swap3A_303, %swap3A_304], %scan3A_295 {strides = array<i32>} : memref<2x16xf32, #tpu.memory_space<vmem>>, vector<16xf32>,
    %swap3A_306 = arith.constant 1 : i32
    %swap3A_307 = arith.index_cast %swap3A_306 : i32 to index
    %swap3A_308 = arith.constant 0 : index
    %swap3A_309 = tpu.vector_load %arg10[%swap3A_307, %swap3A_308] {strides = array<i32>} : memref<2x16xf32, #tpu.memory_space<vmem>>, vector<16xf32>,
    tpu.vector_store %arg10[%swap3A_307, %swap3A_308], %scan3A_301 {strides = array<i32>} : memref<2x16xf32, #tpu.memory_space<vmem>>, vector<16xf32>,
    "tpu.region"() ({
      %run_scoped3A = tpu.sem_alloc : memref<!tpu.dma_semaphore, #tpu.memory_space<semaphore_mem>>
      %dma_start3A_310 = arith.constant 0 : i32
      %dma_start3A_311 = arith.constant 0 : i32
      %dma_start3A_312 = tpu.memref_slice %arg5[%add3A, %dma_start3A_310, %dma_start3A_311] : memref<32x2x16xf32, #tpu.memory_space<hbm>> -> memref<1x2x16xf32, #tpu.memory_space<hbm>>
      %dma_start3A_313 = tpu.memref_squeeze %dma_start3A_312 : memref<1x2x16xf32, #tpu.memory_space<hbm>> -> memref<2x16xf32, #tpu.memory_space<hbm>>
      %dma_start3A_314 = arith.constant 0 : i32
      %dma_start3A_315 = arith.constant 0 : i32
      %dma_start3A_316 = tpu.memref_slice %arg5[%add3A, %dma_start3A_314, %dma_start3A_315] : memref<32x2x16xf32, #tpu.memory_space<hbm>> -> memref<1x2x16xf32, #tpu.memory_space<hbm>>
      %dma_start3A_317 = tpu.memref_squeeze %dma_start3A_316 : memref<1x2x16xf32, #tpu.memory_space<hbm>> -> memref<2x16xf32, #tpu.memory_space<hbm>>
      tpu.enqueue_dma source(%arg10 : memref<2x16xf32, #tpu.memory_space<vmem>>) target(%dma_start3A_317 : memref<2x16xf32, #tpu.memory_space<hbm>>) target_semaphore(%run_scoped3A : memref<!tpu.dma_semaphore, #tpu.memory_space<semaphore_mem>>)
      %dma_wait3A_318 = arith.constant 0 : i32
      %dma_wait3A_319 = arith.constant 0 : i32
      %dma_wait3A_320 = tpu.memref_slice %arg5[%add3A, %dma_wait3A_318, %dma_wait3A_319] : memref<32x2x16xf32, #tpu.memory_space<hbm>> -> memref<1x2x16xf32, #tpu.memory_space<hbm>>
      %dma_wait3A_321 = tpu.memref_squeeze %dma_wait3A_320 : memref<1x2x16xf32, #tpu.memory_space<hbm>> -> memref<2x16xf32, #tpu.memory_space<hbm>>
      %dma_wait3A_322 = arith.constant 0 : i32
      %dma_wait3A_323 = arith.constant 0 : i32
      %dma_wait3A_324 = tpu.memref_slice %arg5[%add3A, %dma_wait3A_322, %dma_wait3A_323] : memref<32x2x16xf32, #tpu.memory_space<hbm>> -> memref<1x2x16xf32, #tpu.memory_space<hbm>>
      %dma_wait3A_325 = tpu.memref_squeeze %dma_wait3A_324 : memref<1x2x16xf32, #tpu.memory_space<hbm>> -> memref<2x16xf32, #tpu.memory_space<hbm>>
      tpu.wait_dma2 semaphore(%run_scoped3A : memref<!tpu.dma_semaphore, #tpu.memory_space<semaphore_mem>>) src(%arg10 : memref<2x16xf32, #tpu.memory_space<vmem>>) dst(%dma_wait3A_325 : memref<2x16xf32, #tpu.memory_space<hbm>>)
      tpu.yield
    }) : () -> ()
    return
  }
}

</mosaic_0001>

<sc_bundles>
// kernel: _sc_reduce.3.cloned.1.call-start
scs
__scs_entry_jumppad:
0x0: {  	(pc) =	sbr.rel $0x88, $3  }
0x1: {  	(tag) =	ssettag $0x0;
	lr =	simm.s32 $0x1  }
0x2: {  	[smem:$0x3F9E] =	sst lr;
	_ =	strace $0xD0000000  }
0x3: {  	_ = 	snop  }
0x4: {  	_ = 	snop  }
0x5: {  	_ = 	snop  }
0x6: {  	_ = 	snop  }
0x7: {  	_ = 	snop  }
__scs_overlays_trampoline_lowered:
0x8: {  	[smem:$0x3FAD] =	sst s0  }
0x9: {  	[smem:$0x3FAE] =	sst s1  }
0xa: {  	[smem:$0x3FAF] =	sst s2  }
0xb: {  	[smem:$0x3FB0] =	sst s3  }
0xc: {  	[smem:$0x3FB1] =	sst s4  }
0xd: {  	[smem:$0x3FB2] =	sst s5  }
0xe: {  	[smem:$0x3FB3] =	sst s6  }
0xf: {  	[smem:$0x3FB4] =	sst s7  }
0x10: {  	[smem:$0x3FB5] =	sst s8  }
0x11: {  	[smem:$0x3FB6] =	sst s9;
	s0 =	simm.s32 @!p0 $0x0  }
0x12: {  	s1 =	sld [smem:$0x3F9C];
	s0 =	simm.s32 @p0 $0x1  }
0x13: {  	[smem:$0x3FB7] =	sst s0;
	s0 =	simm.s32 @!p1 $0x0  }
0x14: {  	s2 =	sld [smem:$0x3F9B];
	s0 =	simm.s32 @p1 $0x1  }
0x15: {  	[smem:$0x3FB8] =	sst s0;
	s0 =	simm.s32 @!p2 $0x0  }
0x16: {  	s3 =	sld [smem:$0x3FDB];
	s0 =	simm.s32 @p2 $0x1  }
0x17: {  	s4 =	simm.s32 $0x1BF5;
	[smem:$0x3FBA] =	sst s0  }
0x18: {  	s0 =	sld [smem:$0x3F9D];
	_ =	swait.ge [sflag:s4], $0x0  }
0x19: {  	s7 =	sld [smem:$0x3F9E]  }
0x1a: {  	s8 =	sadd.s32 $0xFFFFE003, lr  }
0x1b: {  	s9 =	sadd.s32 $0xFFFFFEF7, lr;
	s5 =	simm.s32 $0xFFFFFFFF;
	p2 =	slt.u32 s8, $0xFFFFF086  }
0x1c: {  	p1 =	slt.u32 s9, $0xF7A;
	s5 =	simm.s32 @!p2 $0x0  }
0x1d: {  	s5 =	simm.s32 @p1 $0x1;
	p0 =	seq.s32 s7, s2  }
0x1e: {  	s7 =	smul.u32 @!p0 $0xF7A, s2;
	p2 =	seq.s32 @!p0 s5, $0x0  }
0x1f: {  	s9 =	smul.u32 $0xF7A, s1;
	s8 =	simm.s32 @!p0 $0x1BF5;
	p2 =	por !p2, p0  }
0x20: {  	[sflag:s8] =	ssyncset.s32 @!p0 $0xFFFFF086;
	s6 =	sadd.s32 @!p0 s3, s7;
	s7 =	simm.s32 @!p0 $0x108  }
0x21: {  	s3 =	sadd.s32 s3, s9;
	s6 =	sadd.s32 @!p0 $0x88, s6;
	s7 =	simm.s32 @p2 $0x1082  }
0x22: {  	[simem:s7], [sflag:s8] =	dma.local @!p0 [hbm:s6], $0xF7A  }
0x23: {  	s9 =	sor.u32 $0xD0000000, s2;
	s6 =	simm.s32 $0x108;
	_ =	swait.ge @!p0 [sflag:s8], $0x0  }
0x24: {  	s3 =	sadd.s32 $0x88, s3;
	s6 =	simm.s32 @!p1 $0x1082;
	[sflag:s4] =	ssyncset.s32 $0xFFFFF086  }
0x25: {  	[simem:s6], [sflag:s4] =	dma.local [hbm:s3], $0xF7A  }
0x26: {  	[smem:$0x3F9E] =	sst s1;
	(tag) =	ssettag s2;
	_ =	strace s9  }
0x27: {  	s1 =	sld [smem:$0x3FAE]  }
0x28: {  	s2 =	sld [smem:$0x3FAF]  }
0x29: {  	s4 =	sld [smem:$0x3FB1]  }
0x2a: {  	p0 =	seq.s32 s5, $0x0;
	s5 =	sld [smem:$0x3FB2]  }
0x2b: {  	s6 =	sld [smem:$0x3FB3]  }
0x2c: {  	s7 =	sld [smem:$0x3FB4]  }
0x2d: {  	s3 =	simm.s32 $0x108;
	s8 =	sld [smem:$0x3FB5]  }
0x2e: {  	s3 =	simm.s32 @!p0 $0x1082;
	s9 =	sld [smem:$0x3FB6]  }
0x2f: {  	lr =	sadd.s32 s0, s3;
	s0 =	sld [smem:$0x3FAD]  }
0x30: {  	s3 =	sld [smem:$0x3FB0]  }
0x31: {  	[smem:$0x3FB9] =	sst s10  }
0x32: {  	s10 =	sld [smem:$0x3FB7];
	_ =	sdelay $0x3  }
0x33: {  	p0 =	seq.s32 s10, $0x1;
	s10 =	sld [smem:$0x3FB9];
	_ =	sdelay $0x3  }
0x34: {  	[smem:$0x3FB9] =	sst s10  }
0x35: {  	s10 =	sld [smem:$0x3FB8];
	_ =	sdelay $0x3  }
0x36: {  	p1 =	seq.s32 s10, $0x1;
	s10 =	sld [smem:$0x3FB9];
	_ =	sdelay $0x3  }
0x37: {  	[smem:$0x3FB9] =	sst s10  }
0x38: {  	s10 =	sld [smem:$0x3FBA]  }
0x39: {  	_ = 	snop;
	(pc) =	sbr.ind lr, $3  }
0x3a: {  	_ = 	snop  }
0x3b: {  	_ = 	snop  }
0x3c: {  	p2 =	seq.s32 s10, $0x1;
	s10 =	sld [smem:$0x3FB9]  }
0x3d: {  	_ =	shalt  }
0x3e: {  	_ =	shalt  }
0x3f: {  	_ =	shalt  }
0x40: {  	_ =	shalt  }
0x41: {  	_ =	shalt  }
0x42: {  	_ =	shalt  }
0x43: {  	_ =	shalt  }
0x44: {  	_ =	shalt  }
0x45: {  	_ =	shalt  }
0x46: {  	_ =	shalt  }
0x47: {  	_ =	shalt  }
0x48: {  	_ =	shalt  }
0x49: {  	_ =	shalt  }
0x4a: {  	_ =	shalt  }
0x4b: {  	_ =	shalt  }
0x4c: {  	_ =	shalt  }
0x4d: {  	_ =	shalt  }
0x4e: {  	_ =	shalt  }
0x4f: {  	_ =	shalt  }
0x50: {  	_ =	shalt  }
0x51: {  	_ =	shalt  }
0x52: {  	_ =	shalt  }
0x53: {  	_ =	shalt  }
0x54: {  	_ =	shalt  }
0x55: {  	_ =	shalt  }
0x56: {  	_ =	shalt  }
0x57: {  	_ =	shalt  }
0x58: {  	_ =	shalt  }
0x59: {  	_ =	shalt  }
0x5a: {  	_ =	shalt  }
0x5b: {  	_ =	shalt  }
0x5c: {  	_ =	shalt  }
0x5d: {  	_ =	shalt  }
0x5e: {  	_ =	shalt  }
0x5f: {  	_ =	shalt  }
0x60: {  	_ =	shalt  }
0x61: {  	_ =	shalt  }
0x62: {  	_ =	shalt  }
0x63: {  	_ =	shalt  }
0x64: {  	_ =	shalt  }
0x65: {  	_ =	shalt  }
0x66: {  	_ =	shalt  }
0x67: {  	_ =	shalt  }
0x68: {  	_ =	shalt  }
0x69: {  	_ =	shalt  }
0x6a: {  	_ =	shalt  }
0x6b: {  	_ =	shalt  }
0x6c: {  	_ =	shalt  }
0x6d: {  	_ =	shalt  }
0x6e: {  	_ =	shalt  }
0x6f: {  	_ =	shalt  }
0x70: {  	_ =	shalt  }
0x71: {  	_ =	shalt  }
0x72: {  	_ =	shalt  }
0x73: {  	_ =	shalt  }
0x74: {  	_ =	shalt  }
0x75: {  	_ =	shalt  }
0x76: {  	_ =	shalt  }
0x77: {  	_ =	shalt  }
0x78: {  	_ =	shalt  }
0x79: {  	_ =	shalt  }
0x7a: {  	_ =	shalt  }
0x7b: {  	_ =	shalt  }
0x7c: {  	_ =	shalt  }
0x7d: {  	_ =	shalt  }
0x7e: {  	_ =	shalt  }
0x7f: {  	_ =	shalt  }
0x80: {  	_ =	shalt  }
0x81: {  	_ =	shalt  }
0x82: {  	_ =	shalt  }
0x83: {  	_ =	shalt  }
0x84: {  	_ =	shalt  }
0x85: {  	_ =	shalt  }
0x86: {  	_ =	shalt  }
0x87: {  	_ =	shalt  }
.Lfunc_end0:
.L_simem_size_0:
called_computation_lowered:
.L_overlay_start_0:
0x88: {  	s2 =	sld [smem:$0x3FD9]  }
0x89: {  	s3 =	sld [smem:$0x3FFE];
	_ =	sdelay $0x1  }
0x8a: {  	s1 =	srdreg.scid  }
0x8b: {  	s0 =	sand.u32 $0x1, s1  }
0x8c: {  	s18 =	sshll.u32 s0, $0xA;
	s2 =	sadd.s32 s3, s2  }
0x8d: {  	s2 =	sadd.s32 s2, s18  }
0x8e: {  	[smem:$0x3FC5] =	sst s2  }
0x8f: {  	_ = 	snop  }
0x90: {  	s2 =	sld [smem:$0x3FC9]  }
0x91: {  	s19 =	sld [smem:$0x3FC8]  }
0x92: {  	s4 =	sld [smem:$0x3FC7]  }
0x93: {  	s5 =	sld [smem:$0x3FD0];
	(tm) =	ssettm $0x1  }
0x94: {  	s6 =	sld [smem:$0x3FFB];
	_ =	sdelay $0x3  }
0x95: {  	_ =	strace s6  }
0x96: {  	s6 =	sld [smem:$0x3FFC];
	_ =	sdelay $0x3  }
0x97: {  	_ =	strace s6  }
0x98: {  	s6 =	sld [smem:$0x3FFD];
	_ =	sdelay $0x3  }
0x99: {  	_ =	strace s6  }
0x9a: {  	_ =	strace $0x8FFFFFFF  }
0x9b: {  	s20 =	sld [smem:$0x3FDB];
	_ =	sdelay $0x1  }
0x9c: {  	s7 =	simm.s32 $_scs_section_size  }
0x9d: {  	s8 =	simm.s32 $_size__tile_overlayer_lowered;
	s9 =	simm.s32 $_tile_overlayer_lowered  }
0x9e: {  	s23 =	simm.s32 $0x1BFF;
	s22 =	sshll.u32 s9, $0x1;
	s6 =	sadd.s32 s7, s20  }
0x9f: {  	s10 =	simm.s32 $0x0;
	s21 =	sshll.u32 s8, $0x1;
	s8 =	sadd.s32 s22, s6  }
0xa0: {  	[timem:s10], [sflag:s23] =	dma.local [hbm:s8], s21  }
0xa1: {  	_ =	swait.ge [sflag:s23], s21  }
0xa2: {  	s7 =	ssub.s32 $0x0, s21;
	[sflag:s23] =	ssyncset.done $0x0  }
0xa3: {  	[sflag:s23] =	ssyncadd.s32 s7;
	_ =	sdelay $0x1  }
0xa4: {  	s24 =	simm.s32 $0x1B8B  }
0xa5: {  	_ =	swait.ge [sflag:s24], $0x1  }
0xa6: {  	[sflag:s24] =	ssyncset.done $0x0  }
0xa7: {  	s25 =	simm.s32 $0x1B8E;
	[sflag:s24] =	ssyncadd.s32 $0xFFFFFFFF  }
0xa8: {  	s26 =	simm.s32 $execute0_lowered;
	[smem:$0x3FD2] =	sst s25  }
0xa9: {  	s7 =	sshll.u32 s26, $0x1;
	_ =	strace $0x80000046;
	[dreg:$0x1] =	wrdreg $0xFFFFFFFF  }
0xaa: {  	s28 =	simm.s32 $_size_execute0_lowered;
	s6 =	sadd.s32 s6, s7;
	[dreg:$0x0] =	wrdreg $0x0  }
0xab: {  	s7 =	sshll.u32 s28, $0x1;
	[dreg:$0x2] =	wrdreg s6  }
0xac: {  	[dreg:$0x3] =	wrdreg s7  }
0xad: {  	[dreg:$0x4] =	wrdreg $0xC0  }
0xae: {  	_ =	task [dreg:s10], $0x5FFFF  }
0xaf: {  	[dreg:$0x1] =	wrdreg $0xFFFFFFFF  }
0xb0: {  	[dreg:$0x0] =	wrdreg $0x60  }
0xb1: {  	[dreg:$0x2] =	wrdreg s2  }
0xb2: {  	[dreg:$0x3] =	wrdreg s19  }
0xb3: {  	[dreg:$0x4] =	wrdreg s4  }
0xb4: {  	[dreg:$0x5] =	wrdreg s5  }
0xb5: {  	[dreg:$0x6] =	wrdreg $0x9  }
0xb6: {  	_ =	task.clear_ibuf [dreg:s10], $0x7FFFF;
	_ =	strace $0x90000046  }
0xb7: {  	s29 =	simm.s32 $0x9;
	_ =	strace $0x80000048  }
0xb8: {  	_ =	swait.ge [sflag:s29], $0x1  }
0xb9: {  	[sflag:s29] =	ssyncadd.s32 $0xFFFFFFFF  }
0xba: {  	_ =	strace $0x90000048  }
0xbb: {  	_ =	sfence  }
0xbc: {  	s30 =	sld [smem:$0x0];
	_ =	sdelay $0x2  }
0xbd: {  	s31 =	sshll.u32 s1, $0xD;
	s1 =	sshrl.u32 s1, $0x2  }
0xbe: {  	s3 =	sand.u32 $0x4000, s31;
	s1 =	sadd.s32 s1, s30  }
0xbf: {  	s0 =	sor.u32 s3, s0;
	s1 =	sshll.u32 s1, $0x11  }
0xc0: {  	s0 =	sor.u32 s1, s0  }
0xc1: {  	s0 =	sadd.s32 $0x8F2B, s0  }
0xc2: {  	[sflag:s0] =	ssyncadd.remote.s32 $0x1  }
0xc3: {  	_ =	sfence.sel $0xFFFF  }
0xc4: {  	[dreg:$0x0] =	wrdreg $0xFFFFFFFF;
	(pc) =	sbr.abs _section_cstart, $3  }
0xc5: {  	[dreg:$0x1] =	wrdreg $0xFFFFFFFF  }
0xc6: {  	_ =	task.clear_ibuf [dreg:s10], $0x2FFFF;
	_ =	strace $0x9FFFFFFF  }
0xc7: {  	(tm) =	ssettm $0x7FFFFFFF  }
tec
execute0_lowered:
.L_overlay_start_1:
0x0: {  	(tag) =	ssettag $0x1  }
0x1: {  	s1 =	rddreg [dreg:$0x0]  }
0x2: {  	s0 =	rddreg [dreg:$0x1]  }
0x3: {  	s2 =	rddreg [dreg:$0x2]  }
0x4: {  	s6 =	rddreg [dreg:$0x3];
	s3 =	simm.s32 $0x0;
	s4 =	srdreg.scid  }
0x5: {  	s5 =	stileid.u32;
	s10 =	simm.s32 $0x80;
	s17 =	simm.s32 $0x1380  }
0x6: {  	s18 =	simm.s32 $0x800;
	s19 =	simm.s32 $0x1400;
	s20 =	simm.s32 $0x880  }
0x7: {  	s21 =	simm.s32 $0x1480;
	s22 =	simm.s32 $0x900;
	s23 =	simm.s32 $0x1500  }
0x8: {  	s24 =	simm.s32 $0x980;
	s28 =	simm.s32 $0x1600;
	s29 =	simm.s32 $0xA80  }
0x9: {  	s30 =	simm.s32 $0x1680;
	s31 =	simm.s32 $0xB00;
	s11 =	simm.s32 $0x1780  }
0xa: {  	s12 =	simm.s32 $0x1;
	s13 =	simm.s32 $0x1800;
	s14 =	simm.s32 $0x0  }
0xb: {  	[smem:$0x7FF] =	sst s3;
	s4 =	sand.u32 $0x1, s4;
	s5 =	sshll.u32 s5, $0x1  }
0xc: {  	_ =	strace $0x80000047;
	s7 =	ssub.s32 $0x2, s4;
	s5 =	sor.u32 s4, s5  }
0xd: {  	s25 =	sshrl.u32 s7, $0x1;
	s8 =	sshll.u32 s5, $0x6;
	s9 =	smul.u32 $0x140, s5  }
0xe: {  	s26 =	sshll.u32 s5, $0x2;
	s7 =	ssub.s32 s7, s25;
	s4 =	sadd.s32 s0, s8  }
0xf: {  	s6 =	sadd.s32 s6, s26;
	s8 =	simm.s32 $0x2;
	s25 =	simm.s32 $0x1580  }
0x10: {  	s26 =	simm.s32 $0xA00;
	s0 =	simm.s32 $0x1700;
	s5 =	sadd.s32 s2, s9  }
0x11: {  	s7 =	smax.u32 s7, $0x1;
	s9 =	simm.s32 $0x200;
	s2 =	simm.s32 $0xB80  }
.LBB2_1:
0x12: {  	[tilespmem:s3], [sflag:$0x2] =	stream.linear.gather [hbm4b:s4+s3], $0x200, $0x38;
	[tilespmem:$0x1820] =	vst v63  }
0x13: {  	_ =	swait.ge [sflag:s8], $0x200  }
0x14: {  	[sflag:s8] =	ssyncset.done $0x0  }
0x15: {  	[sflag:s8] =	ssyncadd.s32 $0xFFFFFE00  }
0x16: {  	[tilespmem:s9], [sflag:$0x2] =	stream.linear.gather [hbm4b:s5+s3], $0xA00, $0x38;
	[tilespmem:$0x1820] =	vst v63  }
0x17: {  	_ =	swait.ge [sflag:s8], $0xA00  }
0x18: {  	[sflag:s8] =	ssyncset.done $0x0  }
0x19: {  	s15 =	simm.s32 $0xC00;
	[sflag:s8] =	ssyncadd.s32 $0xFFFFF600  }
0x1a: {  	[tilespmem:s15], [sflag:$0x1] =	stream.indirect.gather [hbm4b:s1+s10], $0x1, s3, s10, $0xb8;
	[tilespmem:$0x1820] =	vst v63  }
0x1b: {  	s16 =	simm.s32 $0xC80  }
0x1c: {  	[tilespmem:s16], [sflag:$0x1] =	stream.indirect.gather [hbm4b:s1+s10], $0x1, s10, s10, $0xb8;
	[tilespmem:$0x1820] =	vst v63  }
0x1d: {  	s15 =	simm.s32 $0x100;
	s16 =	simm.s32 $0xD00  }
0x1e: {  	[tilespmem:s16], [sflag:$0x1] =	stream.indirect.gather [hbm4b:s1+s10], $0x1, s15, s10, $0xb8;
	[tilespmem:$0x1820] =	vst v63  }
0x1f: {  	s15 =	simm.s32 $0x180;
	s16 =	simm.s32 $0xD80  }
0x20: {  	[tilespmem:s16], [sflag:$0x1] =	stream.indirect.gather [hbm4b:s1+s10], $0x1, s15, s10, $0xb8;
	[tilespmem:$0x1820] =	vst v63  }
0x21: {  	s16 =	simm.s32 $0xE00  }
0x22: {  	[tilespmem:s16], [sflag:$0x1] =	stream.indirect.gather [hbm4b:s1+s10], $0x1, s9, s10, $0xb8;
	[tilespmem:$0x1820] =	vst v63  }
0x23: {  	s15 =	simm.s32 $0x280;
	s16 =	simm.s32 $0xE80  }
0x24: {  	[tilespmem:s16], [sflag:$0x1] =	stream.indirect.gather [hbm4b:s1+s10], $0x1, s15, s10, $0xb8;
	[tilespmem:$0x1820] =	vst v63  }
0x25: {  	s15 =	simm.s32 $0x300;
	s16 =	simm.s32 $0xF00  }
0x26: {  	[tilespmem:s16], [sflag:$0x1] =	stream.indirect.gather [hbm4b:s1+s10], $0x1, s15, s10, $0xb8;
	[tilespmem:$0x1820] =	vst v63  }
0x27: {  	s15 =	simm.s32 $0x380;
	s16 =	simm.s32 $0xF80  }
0x28: {  	[tilespmem:s16], [sflag:$0x1] =	stream.indirect.gather [hbm4b:s1+s10], $0x1, s15, s10, $0xb8;
	[tilespmem:$0x1820] =	vst v63  }
0x29: {  	s15 =	simm.s32 $0x400;
	s16 =	simm.s32 $0x1000  }
0x2a: {  	[tilespmem:s16], [sflag:$0x1] =	stream.indirect.gather [hbm4b:s1+s10], $0x1, s15, s10, $0xb8;
	[tilespmem:$0x1820] =	vst v63  }
0x2b: {  	s15 =	simm.s32 $0x480;
	s16 =	simm.s32 $0x1080  }
0x2c: {  	[tilespmem:s16], [sflag:$0x1] =	stream.indirect.gather [hbm4b:s1+s10], $0x1, s15, s10, $0xb8;
	[tilespmem:$0x1820] =	vst v63  }
0x2d: {  	s15 =	simm.s32 $0x500;
	s16 =	simm.s32 $0x1100  }
0x2e: {  	[tilespmem:s16], [sflag:$0x1] =	stream.indirect.gather [hbm4b:s1+s10], $0x1, s15, s10, $0xb8;
	[tilespmem:$0x1820] =	vst v63  }
0x2f: {  	s15 =	simm.s32 $0x580;
	s16 =	simm.s32 $0x1180  }
0x30: {  	[tilespmem:s16], [sflag:$0x1] =	stream.indirect.gather [hbm4b:s1+s10], $0x1, s15, s10, $0xb8;
	[tilespmem:$0x1820] =	vst v63  }
0x31: {  	s15 =	simm.s32 $0x600;
	s16 =	simm.s32 $0x1200  }
0x32: {  	[tilespmem:s16], [sflag:$0x1] =	stream.indirect.gather [hbm4b:s1+s10], $0x1, s15, s10, $0xb8;
	[tilespmem:$0x1820] =	vst v63  }
0x33: {  	s15 =	simm.s32 $0x680;
	s16 =	simm.s32 $0x1280  }
0x34: {  	[tilespmem:s16], [sflag:$0x1] =	stream.indirect.gather [hbm4b:s1+s10], $0x1, s15, s10, $0xb8;
	[tilespmem:$0x1820] =	vst v63  }
0x35: {  	s15 =	simm.s32 $0x700;
	s16 =	simm.s32 $0x1300  }
0x36: {  	[tilespmem:s16], [sflag:$0x1] =	stream.indirect.gather [hbm4b:s1+s10], $0x1, s15, s10, $0xb8;
	[tilespmem:$0x1820] =	vst v63  }
0x37: {  	s16 =	simm.s32 $0x780  }
0x38: {  	[tilespmem:s17], [sflag:$0x1] =	stream.indirect.gather [hbm4b:s1+s10], $0x1, s16, s10, $0xb8;
	[tilespmem:$0x1820] =	vst v63  }
0x39: {  	_ = 	snop  }
0x3a: {  	[tilespmem:s19], [sflag:$0x1] =	stream.indirect.gather [hbm4b:s1+s10], $0x1, s18, s10, $0xb8;
	[tilespmem:$0x1820] =	vst v63  }
0x3b: {  	_ = 	snop  }
0x3c: {  	[tilespmem:s21], [sflag:$0x1] =	stream.indirect.gather [hbm4b:s1+s10], $0x1, s20, s10, $0xb8;
	[tilespmem:$0x1820] =	vst v63  }
0x3d: {  	_ = 	snop  }
0x3e: {  	[tilespmem:s23], [sflag:$0x1] =	stream.indirect.gather [hbm4b:s1+s10], $0x1, s22, s10, $0xb8;
	[tilespmem:$0x1820] =	vst v63  }
0x3f: {  	_ = 	snop  }
0x40: {  	[tilespmem:s25], [sflag:$0x1] =	stream.indirect.gather [hbm4b:s1+s10], $0x1, s24, s10, $0xb8;
	[tilespmem:$0x1820] =	vst v63  }
0x41: {  	_ = 	snop  }
0x42: {  	[tilespmem:s28], [sflag:$0x1] =	stream.indirect.gather [hbm4b:s1+s10], $0x1, s26, s10, $0xb8;
	[tilespmem:$0x1820] =	vst v63  }
0x43: {  	_ = 	snop  }
0x44: {  	[tilespmem:s30], [sflag:$0x1] =	stream.indirect.gather [hbm4b:s1+s10], $0x1, s29, s10, $0xb8;
	[tilespmem:$0x1820] =	vst v63  }
0x45: {  	_ = 	snop  }
0x46: {  	[tilespmem:s0], [sflag:$0x1] =	stream.indirect.gather [hbm4b:s1+s10], $0x1, s31, s10, $0xb8;
	[tilespmem:$0x1820] =	vst v63  }
0x47: {  	_ = 	snop  }
0x48: {  	[tilespmem:s11], [sflag:$0x1] =	stream.indirect.gather [hbm4b:s1+s10], $0x1, s2, s10, $0xb8;
	[tilespmem:$0x1820] =	vst v63  }
0x49: {  	_ =	swait.ge [sflag:s12], $0x80  }
0x4a: {  	[sflag:s12] =	ssyncset.done $0x0  }
0x4b: {  	[sflag:s12] =	ssyncadd.s32 $0xFFFFFF80  }
0x4c: {  	_ =	swait.ge [sflag:s12], $0x80  }
0x4d: {  	[sflag:s12] =	ssyncset.done $0x0  }
0x4e: {  	[sflag:s12] =	ssyncadd.s32 $0xFFFFFF80  }
0x4f: {  	_ =	swait.ge [sflag:s12], $0x80  }
0x50: {  	[sflag:s12] =	ssyncset.done $0x0  }
0x51: {  	[sflag:s12] =	ssyncadd.s32 $0xFFFFFF80  }
0x52: {  	_ =	swait.ge [sflag:s12], $0x80  }
0x53: {  	[sflag:s12] =	ssyncset.done $0x0  }
0x54: {  	[sflag:s12] =	ssyncadd.s32 $0xFFFFFF80  }
0x55: {  	_ =	swait.ge [sflag:s12], $0x80  }
0x56: {  	[sflag:s12] =	ssyncset.done $0x0  }
0x57: {  	[sflag:s12] =	ssyncadd.s32 $0xFFFFFF80  }
0x58: {  	_ =	swait.ge [sflag:s12], $0x80  }
0x59: {  	[sflag:s12] =	ssyncset.done $0x0  }
0x5a: {  	[sflag:s12] =	ssyncadd.s32 $0xFFFFFF80  }
0x5b: {  	_ =	swait.ge [sflag:s12], $0x80  }
0x5c: {  	[sflag:s12] =	ssyncset.done $0x0  }
0x5d: {  	[sflag:s12] =	ssyncadd.s32 $0xFFFFFF80  }
0x5e: {  	_ =	swait.ge [sflag:s12], $0x80  }
0x5f: {  	[sflag:s12] =	ssyncset.done $0x0  }
0x60: {  	[sflag:s12] =	ssyncadd.s32 $0xFFFFFF80  }
0x61: {  	_ =	swait.ge [sflag:s12], $0x80  }
0x62: {  	[sflag:s12] =	ssyncset.done $0x0  }
0x63: {  	[sflag:s12] =	ssyncadd.s32 $0xFFFFFF80  }
0x64: {  	_ =	swait.ge [sflag:s12], $0x80  }
0x65: {  	[sflag:s12] =	ssyncset.done $0x0  }
0x66: {  	[sflag:s12] =	ssyncadd.s32 $0xFFFFFF80  }
0x67: {  	_ =	swait.ge [sflag:s12], $0x80  }
0x68: {  	[sflag:s12] =	ssyncset.done $0x0  }
0x69: {  	[sflag:s12] =	ssyncadd.s32 $0xFFFFFF80  }
0x6a: {  	_ =	swait.ge [sflag:s12], $0x80  }
0x6b: {  	[sflag:s12] =	ssyncset.done $0x0  }
0x6c: {  	[sflag:s12] =	ssyncadd.s32 $0xFFFFFF80  }
0x6d: {  	_ =	swait.ge [sflag:s12], $0x80  }
0x6e: {  	[sflag:s12] =	ssyncset.done $0x0  }
0x6f: {  	[sflag:s12] =	ssyncadd.s32 $0xFFFFFF80  }
0x70: {  	_ =	swait.ge [sflag:s12], $0x80  }
0x71: {  	[sflag:s12] =	ssyncset.done $0x0  }
0x72: {  	[sflag:s12] =	ssyncadd.s32 $0xFFFFFF80  }
0x73: {  	_ =	swait.ge [sflag:s12], $0x80  }
0x74: {  	[sflag:s12] =	ssyncset.done $0x0  }
0x75: {  	[sflag:s12] =	ssyncadd.s32 $0xFFFFFF80  }
0x76: {  	_ =	swait.ge [sflag:s12], $0x80  }
0x77: {  	[sflag:s12] =	ssyncset.done $0x0  }
0x78: {  	[sflag:s12] =	ssyncadd.s32 $0xFFFFFF80  }
0x79: {  	_ =	swait.ge [sflag:s12], $0x80  }
0x7a: {  	[sflag:s12] =	ssyncset.done $0x0  }
0x7b: {  	[sflag:s12] =	ssyncadd.s32 $0xFFFFFF80  }
0x7c: {  	_ =	swait.ge [sflag:s12], $0x80  }
0x7d: {  	[sflag:s12] =	ssyncset.done $0x0  }
0x7e: {  	[sflag:s12] =	ssyncadd.s32 $0xFFFFFF80  }
0x7f: {  	_ =	swait.ge [sflag:s12], $0x80  }
0x80: {  	[sflag:s12] =	ssyncset.done $0x0  }
0x81: {  	[sflag:s12] =	ssyncadd.s32 $0xFFFFFF80  }
0x82: {  	_ =	swait.ge [sflag:s12], $0x80  }
0x83: {  	[sflag:s12] =	ssyncset.done $0x0  }
0x84: {  	[sflag:s12] =	ssyncadd.s32 $0xFFFFFF80  }
0x85: {  	_ =	swait.ge [sflag:s12], $0x80  }
0x86: {  	[sflag:s12] =	ssyncset.done $0x0  }
0x87: {  	[sflag:s12] =	ssyncadd.s32 $0xFFFFFF80  }
0x88: {  	_ =	swait.ge [sflag:s12], $0x80  }
0x89: {  	[sflag:s12] =	ssyncset.done $0x0  }
0x8a: {  	[sflag:s12] =	ssyncadd.s32 $0xFFFFFF80  }
0x8b: {  	_ =	swait.ge [sflag:s12], $0x80  }
0x8c: {  	[sflag:s12] =	ssyncset.done $0x0  }
0x8d: {  	[sflag:s12] =	ssyncadd.s32 $0xFFFFFF80  }
0x8e: {  	_ =	swait.ge [sflag:s12], $0x80  }
0x8f: {  	[sflag:s12] =	ssyncset.done $0x0  }
0x90: {  	[sflag:s12] =	ssyncadd.s32 $0xFFFFFF80  }
0x91: {  	v0 =	vld [tilespmem:$0xC00]  }
0x92: {  	v1 =	vld [tilespmem:$0xC10]  }
0x93: {  	v2 =	vld [tilespmem:$0xC20]  }
0x94: {  	v3 =	vld [tilespmem:$0xC30]  }
0x95: {  	v4 =	vld [tilespmem:$0xC40]  }
0x96: {  	v5 =	vld [tilespmem:$0xC50]  }
0x97: {  	v6 =	vld [tilespmem:$0xC60]  }
0x98: {  	v7 =	vld [tilespmem:$0xC70]  }
0x99: {  	v8 =	vld [tilespmem:$0xC80]  }
0x9a: {  	v9 =	vld [tilespmem:$0xC90]  }
0x9b: {  	v10 =	vld [tilespmem:$0xCA0]  }
0x9c: {  	v11 =	vld [tilespmem:$0xCB0]  }
0x9d: {  	v12 =	vld [tilespmem:$0xCC0]  }
0x9e: {  	v13 =	vld [tilespmem:$0xCD0]  }
0x9f: {  	v14 =	vld [tilespmem:$0xCE0]  }
0xa0: {  	v15 =	vld [tilespmem:$0xCF0]  }
0xa1: {  	s16 =	simm.s32 $0x0;
	v16 =	vld [tilespmem:$0xD00]  }
0xa2: {  	v18 =	vld [tilespmem:s16+$0xE00]  }
0xa3: {  	v17 =	vld [tilespmem:$0xD10]  }
0xa4: {  	v19 =	vld [tilespmem:$0xD20]  }
0xa5: {  	v20 =	vld [tilespmem:$0xD30]  }
0xa6: {  	v21 =	vld [tilespmem:$0xD40]  }
0xa7: {  	v22 =	vld [tilespmem:$0xD50];
	v18 =	vmul.f32 $1.442695020e+00, v18  }
0xa8: {  	v23 =	vld [tilespmem:$0xD60];
	s16 =	simm.s32 $0x10  }
0xa9: {  	(erf) = vpow2.f32 v18;
	v18 =	vld [tilespmem:s16+$0xE00]  }
0xaa: {  	v25 =	vld [tilespmem:$0xD70]  }
0xab: {  	v26 =	vld [tilespmem:$0xD80]  }
0xac: {  	v27 =	vld [tilespmem:$0xD90]  }
0xad: {  	v31 =	vld [tilespmem:$0xDA0]  }
0xae: {  	v28 =	vld [tilespmem:$0xDB0];
	s16 =	simm.s32 $0x20;
	v34 =	vmul.f32 $1.442695020e+00, v18  }
0xaf: {  	v33 =	vld [tilespmem:s16+$0xE00]  }
0xb0: {  	v29 =	vld [tilespmem:$0xDC0];
	(erf) = vpow2.f32 v34  }
0xb1: {  	v30 =	vld [tilespmem:$0xDD0]  }
0xb2: {  	v24 =	vld [tilespmem:$0xDE0]  }
0xb3: {  	v32 =	vimm.f32 $0.0e+00;
	s15 =	simm.s32 $0xC0;
	v18 =	vld [tilespmem:$0xDF0];
	v34 =	vpop (erf)  }
.LBB2_2:
0xb4: {  	s16 =	sshra.s32 s15, $0x2;
	p0 =	sne.s32 s15, $0x27C0;
	s15 =	sadd.s32 $0x40, s15;
	v35 =	vmul.f32 $1.442695020e+00, v33;
	v32 =	vadd.f32 v34, v32  }
.Ltmp0:
0xb5: {  	v33 =	vld [tilespmem:s16+$0xE00];
	(pc) =	sbr.rel @p0 .LBB2_2-.Ltmp0, $2  }
0xb6: {  	(erf) = vpow2.f32 v35;
	_ =	sdelay $0x2  }
0xb7: {  	v34 =	vpop (erf)  }
0xb8: {  	v0 =	vadd.f32 $0.0e+00, v0;
	_ =	sdelay $0x1  }
0xb9: {  	v0 =	vadd.f32 v1, v0;
	_ =	sdelay $0x1  }
0xba: {  	v0 =	vadd.f32 v2, v0;
	_ =	sdelay $0x1  }
0xbb: {  	v0 =	vadd.f32 v3, v0;
	_ =	sdelay $0x1  }
0xbc: {  	v0 =	vadd.f32 v4, v0;
	_ =	sdelay $0x1  }
0xbd: {  	v0 =	vadd.f32 v5, v0;
	_ =	sdelay $0x1  }
0xbe: {  	v0 =	vadd.f32 v6, v0;
	_ =	sdelay $0x1  }
0xbf: {  	v0 =	vadd.f32 v7, v0;
	_ =	sdelay $0x1  }
0xc0: {  	v0 =	vadd.f32 v8, v0;
	_ =	sdelay $0x1  }
0xc1: {  	v0 =	vadd.f32 v9, v0;
	_ =	sdelay $0x1  }
0xc2: {  	v0 =	vadd.f32 v10, v0;
	_ =	sdelay $0x1  }
0xc3: {  	v0 =	vadd.f32 v11, v0;
	_ =	sdelay $0x1  }
0xc4: {  	v0 =	vadd.f32 v12, v0;
	_ =	sdelay $0x1  }
0xc5: {  	v0 =	vadd.f32 v13, v0;
	_ =	sdelay $0x1  }
0xc6: {  	v0 =	vadd.f32 v14, v0;
	_ =	sdelay $0x1  }
0xc7: {  	v0 =	vadd.f32 v15, v0;
	_ =	sdelay $0x1  }
0xc8: {  	v0 =	vadd.f32 v16, v0;
	_ =	sdelay $0x1  }
0xc9: {  	v0 =	vadd.f32 v17, v0;
	_ =	sdelay $0x1  }
0xca: {  	v0 =	vadd.f32 v19, v0;
	_ =	sdelay $0x1  }
0xcb: {  	v0 =	vadd.f32 v20, v0;
	_ =	sdelay $0x1  }
0xcc: {  	v0 =	vadd.f32 v21, v0;
	_ =	sdelay $0x1  }
0xcd: {  	v0 =	vadd.f32 v22, v0;
	_ =	sdelay $0x1  }
0xce: {  	v0 =	vadd.f32 v23, v0;
	_ =	sdelay $0x1  }
0xcf: {  	v0 =	vadd.f32 v25, v0;
	_ =	sdelay $0x1  }
0xd0: {  	v0 =	vadd.f32 v26, v0  }
0xd1: {  	v60 =	vmul.f32 $1.442695020e+00, v33  }
0xd2: {  	v0 =	vadd.f32 v27, v0  }
0xd3: {  	(erf) = vpow2.f32 v60  }
0xd4: {  	v0 =	vadd.f32 v31, v0;
	_ =	sdelay $0x1  }
0xd5: {  	v0 =	vadd.f32 v28, v0;
	_ =	sdelay $0x1  }
0xd6: {  	v0 =	vadd.f32 v29, v0  }
0xd7: {  	v61 =	vadd.f32 v34, v32  }
0xd8: {  	v62 =	vpop (erf);
	v0 =	vadd.f32 v30, v0  }
0xd9: {  	v1 =	vadd.f32 v62, v61  }
0xda: {  	v63 =	vpop (erf);
	v0 =	vadd.f32 v24, v0  }
0xdb: {  	v1 =	vadd.f32 v63, v1  }
0xdc: {  	s14 =	sadd.s32 $0x1, s14;
	v0 =	vadd.f32 v18, v0  }
0xdd: {  	p0 =	sne.s32 s14, s7;
	[tilespmem:$0x1810] =	vst v1  }
.Ltmp1:
0xde: {  	[tilespmem:$0x1800] =	vst v0;
	(pc) =	sbr.rel @p0 .LBB2_1-.Ltmp1, $4  }
0xdf: {  	[hbm4b:s6+s3] =	stream.linear.scatter [tilespmem:s13], [sflag:$0x2], $0x20, $0x38;
	[tilespmem:$0x1820] =	vst v63  }
0xe0: {  	_ =	swait.ge [sflag:s8], $0x20  }
0xe1: {  	[sflag:s8] =	ssyncset.done $0x0  }
0xe2: {  	[sflag:s8] =	ssyncadd.s32 $0xFFFFFFE0  }
0xe3: {  	_ =	sfence.sel $0x180000  }
0xe4: {  	[bflag:$0x0] =	sbarrier.arrive $0xFFFF  }
0xe5: {  	_ =	strace $0x90000047  }
0xe6: {  	s0 =	stileid.u32;
	[bflag:$0x2] =	sbarrier.arrive $0xFFFF  }
0xe7: {  	p0 =	sne.s32 s0, $0x0;
	s0 =	rddreg [dreg:$0x4]  }
0xe8: {  	s0 =	sadd.s32 @!p0 $0x100000, s0  }
0xe9: {  	[sflag:s0] =	ssyncadd.tile.s32 @!p0 $0x1;
	_ =	shalt  }
.Lfunc_end2:
_tile_overlayer_lowered:
.L_overlay_start_2:
0xea: {  	(tag) =	ssettag $0x2  }
0xeb: {  	s0 =	rddreg [dreg:$0x0];
	s2 =	stileid.u32  }
0xec: {  	s1 =	rddreg [dreg:$0x1];
	p0 =	sne.s32 s2, $0x0  }
0xed: {  	s3 =	rddreg [dreg:$0x2];
	[bflag:$0x3] =	sbarrier.arrive $0xFFFF;
	s2 =	simm.s32 @!p0 $0x1C02  }
0xee: {  	[timem:s3], [sflag:s2] =	dma.local @!p0 [hbm:s0], s1  }
0xef: {  	s0 =	simm.s32 @!p0 $0x2  }
0xf0: {  	_ =	swait.ge @!p0 [sflag:s0], s1  }
0xf1: {  	s1 =	ssub.s32 @!p0 $0x0, s1;
	[sflag:s0] =	ssyncset.done @!p0 $0x0  }
0xf2: {  	[sflag:s0] =	ssyncadd.s32 @!p0 s1  }
0xf3: {  	[bflag:$0x3] =	sbarrier.arrive $0xFFFF  }
0xf4: {  	_ =	shalt  }

</sc_bundles>
